<compile_context>
chip_gen: v7x
topology: tpu7x:2x2x1
jax: 0.10.2.dev20260603
libtpu: 0.0.44.dev20260713+nightly
codegen_flags: <defaults>
</compile_context>

<pallas_src>
import functools

import jax
import jax.numpy as jnp
from jax import lax
from jax.experimental import pallas as pl
from jax.experimental.pallas import tpu as pltpu
from jax.experimental.pallas import tpu_sc as plsc

_B = 4
_S = 4096
_DIM = 6144
_NE = 80
_TOPK = 8
_HID = 256
_BALANCE_W = 0.3
_ENTROPY_W = 0.1
_Z_W = 0.0001

_SC_S = 1024
_TC_S = _S - _SC_S
_CHUNK = 512

_NC = 2
_NS = 16
_NW = _NC * _NS
_WPB = _NW // _B
_WROWS = _SC_S // _WPB
_R = 8
_NCHUNK = _WROWS // _R
_NSTRIP = _DIM // 16
_UNROLL = 8

_sc_mesh = plsc.VectorSubcoreMesh(core_axis_name="c", subcore_axis_name="s")


@functools.partial(
    pl.kernel, mesh=_sc_mesh,
    out_type=jax.ShapeDtypeStruct((_NW, _DIM), jnp.float32),
    scratch_types=[
        pltpu.VMEM((_R, _DIM), jnp.float32),
        pltpu.VMEM((_R, _DIM), jnp.float32),
        pltpu.VMEM((_DIM,), jnp.float32),
        pltpu.SemaphoreType.DMA,
        pltpu.SemaphoreType.DMA,
    ],
)
def _sc_partial_sum(x_hbm, out_hbm, buf0, buf1, acc, sem0, sem1):
    wid = lax.axis_index("s") * _NC + lax.axis_index("c")
    b = wid // _WPB
    row0 = _TC_S + (wid % _WPB) * _WROWS

    def zero_body(j, _):
        acc[pl.ds(16 * j, 16)] = jnp.zeros((16,), jnp.float32)
        return 0

    lax.fori_loop(0, _NSTRIP, zero_body, 0)

    def chunk_copy(q, buf, sem):
        src = x_hbm.at[b, pl.ds(row0 + q * _R, _R), :]
        return pltpu.make_async_copy(src, buf, sem)

    chunk_copy(0, buf0, sem0).start()
    chunk_copy(1, buf1, sem1).start()

    def reduce_buf(buf):
        def strip_body(jj, _):
            for u in range(_UNROLL):
                off = 16 * (_UNROLL * jj + u)
                vs = [buf[r, pl.ds(off, 16)] for r in range(_R)]
                while len(vs) > 1:
                    nxt = [vs[i] + vs[i + 1] for i in range(0, len(vs) - 1, 2)]
                    if len(vs) % 2:
                        nxt.append(vs[-1])
                    vs = nxt
                plsc.addupdate(acc.at[pl.ds(off, 16)], vs[0])
            return 0
        lax.fori_loop(0, _NSTRIP // _UNROLL, strip_body, 0)

    def g_body(g, _):
        chunk_copy(2 * g, buf0, sem0).wait()
        reduce_buf(buf0)

        @pl.when(2 * g + 2 < _NCHUNK)
        def _():
            chunk_copy(2 * g + 2, buf0, sem0).start()

        chunk_copy(2 * g + 1, buf1, sem1).wait()
        reduce_buf(buf1)

        @pl.when(2 * g + 3 < _NCHUNK)
        def _():
            chunk_copy(2 * g + 3, buf1, sem1).start()

        return 0

    lax.fori_loop(0, _NCHUNK // 2, g_body, 0)

    pltpu.sync_copy(acc, out_hbm.at[wid])


def _tc_sum_kernel(x_ref, o_ref):
    i = pl.program_id(1)
    partial = jnp.sum(jnp.reshape(x_ref[0], (_CHUNK // 8, 8, _DIM)), axis=0)

    @pl.when(i == 0)
    def _init():
        o_ref[0] = partial

    @pl.when(i != 0)
    def _acc():
        o_ref[0] += partial


def _tail_kernel(a_ref, b_ref, ws_ref, bs_ref, w1_ref, b1_ref, w2_ref,
                 b2_ref, temp_ref, w_out, i_out, u_out, l_out):
    sc_sum = jnp.sum(jnp.reshape(b_ref[...], (_B, _WPB, _DIM)), axis=1)
    tc_sum = jnp.sum(a_ref[...], axis=1)
    xm = (tc_sum + sc_sum) * (1.0 / _S)

    h = jax.lax.dot_general(xm, w1_ref[...], (((1,), (1,)), ((), ())),
                            preferred_element_type=jnp.float32)
    h = jnp.maximum(h + b1_ref[...], 0.0)
    pol = jax.lax.dot_general(h, w2_ref[...], (((1,), (1,)), ((), ())),
                              preferred_element_type=jnp.float32)
    pol = pol + b2_ref[...]
    pol = pol - jnp.max(pol, axis=-1, keepdims=True)
    pol = jnp.exp(pol)
    pol = pol / jnp.sum(pol, axis=-1, keepdims=True)

    t = jnp.maximum(temp_ref[0, 0], 0.1)
    base = jax.lax.dot_general(xm, ws_ref[...], (((1,), (1,)), ((), ())),
                               preferred_element_type=jnp.float32)
    base = (base + bs_ref[...]) / t

    sc = (base + pol) * 0.5
    sc = sc - jnp.max(sc, axis=-1, keepdims=True)
    sc = jnp.exp(sc)
    scores = sc / jnp.sum(sc, axis=-1, keepdims=True)

    entropy = -jnp.mean(jnp.sum(scores * jnp.log(scores + 1e-6), axis=-1))
    entropy_loss = -_ENTROPY_W * entropy
    bmax = jnp.max(base, axis=-1, keepdims=True)
    lse = jnp.log(jnp.sum(jnp.exp(base - bmax), axis=-1, keepdims=True)) + bmax
    z_loss = _Z_W * jnp.mean(lse * lse)

    lane = jax.lax.broadcasted_iota(jnp.int32, (_B, _NE), 1)
    rem = scores
    usage = jnp.zeros((1, _NE), jnp.float32)
    w_cols = []
    i_cols = []
    for _ in range(_TOPK):
        m = jnp.max(rem, axis=-1, keepdims=True)
        hit = rem == m
        idx = jnp.min(jnp.where(hit, lane, _NE), axis=-1, keepdims=True)
        w = m * t
        w_cols.append(w)
        i_cols.append(idx)
        usage = usage + jnp.sum(jnp.where(lane == idx, w, 0.0), axis=0,
                                keepdims=True)
        rem = jnp.where(lane == idx, -1.0, rem)

    u_out[...] = usage
    w_out[...] = jnp.concatenate(w_cols, axis=1)
    i_out[...] = jnp.concatenate(i_cols, axis=1)

    frac = usage / (jnp.mean(usage) + 1e-6)
    mu = jnp.mean(frac)
    var = jnp.sum((frac - mu) ** 2) / (_NE - 1)
    loss = _BALANCE_W * var + entropy_loss + z_loss
    l_out[...] = jnp.reshape(loss, (1, 1))


def kernel(x, Ws, bs, W1, b1, W2, b2, temp):
    bs2 = bs.reshape(1, _NE)
    b1_2 = b1.reshape(1, _HID)
    b2_2 = b2.reshape(1, _NE)
    temp2 = jnp.reshape(temp, (1, 1)).astype(jnp.float32)

    sc_planes = _sc_partial_sum(x)

    tc_part = pl.pallas_call(
        _tc_sum_kernel,
        grid=(_B, _TC_S // _CHUNK),
        in_specs=[pl.BlockSpec((1, _CHUNK, _DIM), lambda b, i: (b, i, 0))],
        out_specs=pl.BlockSpec((1, 8, _DIM), lambda b, i: (b, 0, 0)),
        out_shape=jax.ShapeDtypeStruct((_B, 8, _DIM), jnp.float32),
    )(x)

    weights, indices, usage, loss = pl.pallas_call(
        _tail_kernel,
        out_shape=[
            jax.ShapeDtypeStruct((_B, _TOPK), jnp.float32),
            jax.ShapeDtypeStruct((_B, _TOPK), jnp.int32),
            jax.ShapeDtypeStruct((1, _NE), jnp.float32),
            jax.ShapeDtypeStruct((1, 1), jnp.float32),
        ],
    )(tc_part, sc_planes, Ws, bs2, W1, b1_2, W2, b2_2, temp2)

    return (weights, indices, usage.reshape(_NE), loss[0, 0],
            jnp.asarray(0.0, jnp.float32), jnp.asarray(0.0, jnp.float32))

# --- scband reference (transcript-rebuilt; emitter-appended) ---
"""Pipeline reference for scband-dynamic-router-81612968558625 (READ-ONLY COPY).

The authoritative reference and input builder live on the scoring server;
editing this copy changes nothing except your own understanding.
"""

import jax, jax.numpy as jnp
import numpy as np

B = 4
S = 4096
DIM = 6144
N_EXPERTS = 80
TOPK = 8
HID = 256
BALANCE_W = 0.3
ENTROPY_W = 0.1
Z_W = 0.0001


def setup_inputs(seed: int = 0) -> dict:
    key = jax.random.key(seed)
    ks = jax.random.split(key, 8)
    x = jax.random.normal(ks[0], (B, S, DIM), dtype=jnp.float32)
    Ws = jax.random.normal(ks[1], (N_EXPERTS, DIM), dtype=jnp.float32) * (1.0 / np.sqrt(DIM))
    bs = jnp.zeros((N_EXPERTS,), dtype=jnp.float32)
    W1 = jax.random.normal(ks[2], (HID, DIM), dtype=jnp.float32) * (1.0 / np.sqrt(DIM))
    b1 = jnp.zeros((HID,), dtype=jnp.float32)
    W2 = jax.random.normal(ks[3], (N_EXPERTS, HID), dtype=jnp.float32) * (1.0 / np.sqrt(HID))
    b2 = jnp.zeros((N_EXPERTS,), dtype=jnp.float32)
    temp = jnp.asarray(1.0, dtype=jnp.float32)  # step=0 -> update_temperature sets 0.5+0.5*cos(0)=1.0
    return {"x": x, "Ws": Ws, "bs": bs, "W1": W1, "b1": b1, "W2": W2, "b2": b2, "temp": temp}


def reference(x, Ws, bs, W1, b1, W2, b2, temp):
    # eval-mode: dropout is identity
    xm = jnp.mean(x, axis=1)  # [B, DIM]
    h = jnp.maximum(xm @ W1.T + b1, 0.0)
    policy_scores = jax.nn.softmax(h @ W2.T + b2, axis=-1)  # Softmax inside policy_network
    t = jnp.clip(temp, 0.1, None)
    base_scores = (xm @ Ws.T + bs) / t
    scores = jax.nn.softmax(((base_scores + policy_scores) / 2.0).astype(jnp.float32), axis=-1)
    entropy = -jnp.mean(jnp.sum(scores * jnp.log(scores + 1e-6), axis=-1))
    entropy_loss = -ENTROPY_W * entropy
    z_loss = Z_W * jnp.mean(jax.scipy.special.logsumexp(base_scores, axis=-1) ** 2)
    weights, indices = jax.lax.top_k(scores, TOPK)
    weights = weights * t
    expert_usage = jnp.zeros((N_EXPERTS,), jnp.float32).at[indices.reshape(-1)].add(weights.reshape(-1))
    usage_fraction = expert_usage / (jnp.mean(expert_usage) + 1e-6)
    balance_loss = BALANCE_W * jnp.var(usage_fraction, ddof=1) + entropy_loss + z_loss  # torch.var is unbiased
    supervised_loss = jnp.asarray(0.0, jnp.float32)  # labels is None
    reward = jnp.asarray(0.0, jnp.float32)  # labels is None
    return (weights, indices, expert_usage, balance_loss, supervised_loss, reward)

if __name__ == "__main__":
    import jax
    _d = setup_inputs()
    print(jax.jit(kernel)(*tuple(_d.values())))

</pallas_src>

<mosaic_0001>
#map = affine_map<(d0, d1) -> (0, 0, 0)>
#map1 = affine_map<(d0, d1) -> (0, 0)>
module attributes {stable_mosaic.version = 14 : i64} {
  func.func @_sc_partial_sum(%arg0: i32, %arg1: i32, %arg2: memref<4x4096x6144xf32, #tpu.memory_space<hbm>>, %arg3: memref<32x6144xf32, #tpu.memory_space<hbm>>, %arg4: memref<8x6144xf32, #tpu.memory_space<vmem>>, %arg5: memref<8x6144xf32, #tpu.memory_space<vmem>>, %arg6: memref<6144xf32, #tpu.memory_space<vmem>>, %arg7: memref<!tpu.dma_semaphore, #tpu.memory_space<semaphore_mem>>, %arg8: memref<!tpu.dma_semaphore, #tpu.memory_space<semaphore_mem>>) attributes {dimension_semantics = [#tpu.dimension_semantics<core_parallel>, #tpu.dimension_semantics<subcore_parallel>], iteration_bounds = array<i64: 2, 16>, scalar_prefetch = 0 : i64, scratch_operands = 5 : i64, tpu.core_type = #tpu.core_type<sc_vector_subcore>, window_params = [{transform_indices = #map}, {transform_indices = #map1}]} {
    %mul3A = arith.constant 2 : i32
    %mul3A_0 = arith.muli %arg1, %mul3A : i32
    %add3A = arith.addi %mul3A_0, %arg0 : i32
    %jit3A = arith.constant 8 : i32
    %div3A = arith.divsi %add3A, %jit3A : i32
    %sign3A = arith.constant 0 : i32
    %sign3A_1 = arith.cmpi sgt, %add3A, %sign3A : i32
    %sign3A_2 = arith.extui %sign3A_1 : i1 to i32
    %sign3A_3 = arith.constant 0 : i32
    %sign3A_4 = arith.cmpi slt, %add3A, %sign3A_3 : i32
    %sign3A_5 = arith.extui %sign3A_4 : i1 to i32
    %sign3A_6 = arith.subi %sign3A_2, %sign3A_5 : i32
    %sign3A_7 = arith.constant 0 : i32
    %sign3A_8 = arith.cmpi sgt, %jit3A, %sign3A_7 : i32
    %sign3A_9 = arith.extui %sign3A_8 : i1 to i32
    %sign3A_10 = arith.constant 0 : i32
    %sign3A_11 = arith.cmpi slt, %jit3A, %sign3A_10 : i32
    %sign3A_12 = arith.extui %sign3A_11 : i1 to i32
    %sign3A_13 = arith.subi %sign3A_9, %sign3A_12 : i32
    %ne3A = arith.cmpi ne, %sign3A_6, %sign3A_13 : i32
    %rem3A = arith.remsi %add3A, %jit3A : i32
    %ne3A_14 = arith.constant 0 : i32
    %ne3A_15 = arith.cmpi ne, %rem3A, %ne3A_14 : i32
    %and3A = arith.andi %ne3A, %ne3A_15 : i1
    %sub3A = arith.constant 1 : i32
    %sub3A_16 = arith.subi %div3A, %sub3A : i32
    %select_n3A = arith.select %and3A, %sub3A_16, %div3A : i32
    %jit3A_17 = arith.constant 8 : i32
    %eq3A = arith.constant 0 : i32
    %eq3A_18 = arith.cmpi eq, %jit3A_17, %eq3A : i32
    %jit3A_19 = arith.constant 1 : i32
    %select_n3A_20 = arith.select %eq3A_18, %jit3A_19, %jit3A_17 : i32
    %rem3A_21 = arith.remsi %add3A, %select_n3A_20 : i32
    %ne3A_22 = arith.constant 0 : i32
    %ne3A_23 = arith.cmpi ne, %rem3A_21, %ne3A_22 : i32
    %lt3A = arith.constant 0 : i32
    %lt3A_24 = arith.cmpi slt, %rem3A_21, %lt3A : i32
    %lt3A_25 = arith.constant 0 : i32
    %lt3A_26 = arith.cmpi slt, %select_n3A_20, %lt3A_25 : i32
    %ne3A_27 = arith.xori %lt3A_24, %lt3A_26 : i1
    %and3A_28 = arith.andi %ne3A_27, %ne3A_23 : i1
    %add3A_29 = arith.addi %rem3A_21, %select_n3A_20 : i32
    %select_n3A_30 = arith.select %and3A_28, %add3A_29, %rem3A_21 : i32
    %mul3A_31 = arith.constant 128 : i32
    %mul3A_32 = arith.muli %select_n3A_30, %mul3A_31 : i32
    %add3A_33 = arith.constant 3072 : i32
    %add3A_34 = arith.addi %add3A_33, %mul3A_32 : i32
    %scan3A = arith.constant 0 : i32
    %scan3A_35 = arith.constant 0 : i32
    %scan3A_36 = arith.constant 384 : i32
    %scan3A_37 = arith.addi %scan3A_35, %scan3A_36 : i32
    %scan3A_38 = arith.constant 1 : i32
    %scan3A_39 = scf.for %scan3A_63 = %scan3A_35 to %scan3A_37 step %scan3A_38 iter_args(%scan3A_64 = %scan3A) -> (i32)  : i32 {
      %broadcast_in_dim3A = arith.constant 0.000000e+00 : f32
      %broadcast_in_dim3A_65 = vector.broadcast %broadcast_in_dim3A : f32 to vector<16xf32>
      %mul3A_66 = arith.constant 16 : i32
      %mul3A_67 = arith.muli %mul3A_66, %scan3A_63 : i32
      %swap3A = arith.index_cast %mul3A_67 : i32 to index
      %swap3A_68 = tpu.vector_load %arg6[%swap3A] {strides = array<i32>} : memref<6144xf32, #tpu.memory_space<vmem>>, vector<16xf32>,
      %swap3A_69 = vector.shape_cast %swap3A_68 : vector<16xf32> to vector<16xf32>
      %swap3A_70 = vector.shape_cast %broadcast_in_dim3A_65 : vector<16xf32> to vector<16xf32>
      tpu.vector_store %arg6[%swap3A], %swap3A_70 {strides = array<i32>} : memref<6144xf32, #tpu.memory_space<vmem>>, vector<16xf32>,
      %scan3A_71 = arith.constant 0 : i32
      scf.yield %scan3A_71 : i32
    }
    %scan3A_40 = arith.constant 384 : i32
    %add3A_41 = arith.constant 0 : i32
    %add3A_42 = arith.addi %add3A_34, %add3A_41 : i32
    %dma_start3A = arith.constant 0 : i32
    %dma_start3A_43 = tpu.memref_slice %arg2[%select_n3A, %add3A_42, %dma_start3A] : memref<4x4096x6144xf32, #tpu.memory_space<hbm>> -> memref<1x8x6144xf32, #tpu.memory_space<hbm>>
    %dma_start3A_44 = tpu.memref_squeeze %dma_start3A_43 : memref<1x8x6144xf32, #tpu.memory_space<hbm>> -> memref<8x6144xf32, #tpu.memory_space<hbm>>
    %dma_start3A_45 = arith.constant 0 : i32
    %dma_start3A_46 = tpu.memref_slice %arg2[%select_n3A, %add3A_42, %dma_start3A_45] : memref<4x4096x6144xf32, #tpu.memory_space<hbm>> -> memref<1x8x6144xf32, #tpu.memory_space<hbm>>
    %dma_start3A_47 = tpu.memref_squeeze %dma_start3A_46 : memref<1x8x6144xf32, #tpu.memory_space<hbm>> -> memref<8x6144xf32, #tpu.memory_space<hbm>>
    tpu.enqueue_dma source(%dma_start3A_47 : memref<8x6144xf32, #tpu.memory_space<hbm>>) target(%arg4 : memref<8x6144xf32, #tpu.memory_space<vmem>>) target_semaphore(%arg7 : memref<!tpu.dma_semaphore, #tpu.memory_space<semaphore_mem>>)
    %add3A_48 = arith.constant 8 : i32
    %add3A_49 = arith.addi %add3A_34, %add3A_48 : i32
    %dma_start3A_50 = arith.constant 0 : i32
    %dma_start3A_51 = tpu.memref_slice %arg2[%select_n3A, %add3A_49, %dma_start3A_50] : memref<4x4096x6144xf32, #tpu.memory_space<hbm>> -> memref<1x8x6144xf32, #tpu.memory_space<hbm>>
    %dma_start3A_52 = tpu.memref_squeeze %dma_start3A_51 : memref<1x8x6144xf32, #tpu.memory_space<hbm>> -> memref<8x6144xf32, #tpu.memory_space<hbm>>
    %dma_start3A_53 = arith.constant 0 : i32
    %dma_start3A_54 = tpu.memref_slice %arg2[%select_n3A, %add3A_49, %dma_start3A_53] : memref<4x4096x6144xf32, #tpu.memory_space<hbm>> -> memref<1x8x6144xf32, #tpu.memory_space<hbm>>
    %dma_start3A_55 = tpu.memref_squeeze %dma_start3A_54 : memref<1x8x6144xf32, #tpu.memory_space<hbm>> -> memref<8x6144xf32, #tpu.memory_space<hbm>>
    tpu.enqueue_dma source(%dma_start3A_55 : memref<8x6144xf32, #tpu.memory_space<hbm>>) target(%arg5 : memref<8x6144xf32, #tpu.memory_space<vmem>>) target_semaphore(%arg8 : memref<!tpu.dma_semaphore, #tpu.memory_space<semaphore_mem>>)
    %scan3A_56 = arith.constant 0 : i32
    %scan3A_57 = arith.constant 0 : i32
    %scan3A_58 = arith.constant 8 : i32
    %scan3A_59 = arith.addi %scan3A_57, %scan3A_58 : i32
    %scan3A_60 = arith.constant 1 : i32
    %scan3A_61 = scf.for %scan3A_63 = %scan3A_57 to %scan3A_59 step %scan3A_60 iter_args(%scan3A_64 = %scan3A_56) -> (i32)  : i32 {
      %mul3A_65 = arith.constant 2 : i32
      %mul3A_66 = arith.muli %mul3A_65, %scan3A_63 : i32
      %mul3A_67 = arith.constant 8 : i32
      %mul3A_68 = arith.muli %mul3A_66, %mul3A_67 : i32
      %add3A_69 = arith.addi %add3A_34, %mul3A_68 : i32
      %dma_wait3A = arith.constant 0 : i32
      %dma_wait3A_70 = tpu.memref_slice %arg2[%select_n3A, %add3A_69, %dma_wait3A] : memref<4x4096x6144xf32, #tpu.memory_space<hbm>> -> memref<1x8x6144xf32, #tpu.memory_space<hbm>>
      %dma_wait3A_71 = tpu.memref_squeeze %dma_wait3A_70 : memref<1x8x6144xf32, #tpu.memory_space<hbm>> -> memref<8x6144xf32, #tpu.memory_space<hbm>>
      %dma_wait3A_72 = arith.constant 0 : i32
      %dma_wait3A_73 = tpu.memref_slice %arg2[%select_n3A, %add3A_69, %dma_wait3A_72] : memref<4x4096x6144xf32, #tpu.memory_space<hbm>> -> memref<1x8x6144xf32, #tpu.memory_space<hbm>>
      %dma_wait3A_74 = tpu.memref_squeeze %dma_wait3A_73 : memref<1x8x6144xf32, #tpu.memory_space<hbm>> -> memref<8x6144xf32, #tpu.memory_space<hbm>>
      tpu.wait_dma2 semaphore(%arg7 : memref<!tpu.dma_semaphore, #tpu.memory_space<semaphore_mem>>) src(%dma_wait3A_74 : memref<8x6144xf32, #tpu.memory_space<hbm>>) dst(%arg4 : memref<8x6144xf32, #tpu.memory_space<vmem>>)
      %scan3A_75 = arith.constant 0 : i32
      %scan3A_76 = arith.constant 0 : i32
      %scan3A_77 = arith.constant 48 : i32
      %scan3A_78 = arith.addi %scan3A_76, %scan3A_77 : i32
      %scan3A_79 = arith.constant 1 : i32
      %scan3A_80 = scf.for %scan3A_119 = %scan3A_76 to %scan3A_78 step %scan3A_79 iter_args(%scan3A_120 = %scan3A_75) -> (i32)  : i32 {
        %mul3A_121 = arith.constant 8 : i32
        %mul3A_122 = arith.muli %mul3A_121, %scan3A_119 : i32
        %add3A_123 = arith.constant 0 : i32
        %add3A_124 = arith.addi %mul3A_122, %add3A_123 : i32
        %mul3A_125 = arith.constant 16 : i32
        %mul3A_126 = arith.muli %mul3A_125, %add3A_124 : i32
        %get3A = arith.constant 0 : i32
        %get3A_127 = arith.index_cast %get3A : i32 to index
        %get3A_128 = arith.index_cast %mul3A_126 : i32 to index
        %get3A_129 = tpu.vector_load %arg4[%get3A_127, %get3A_128] {strides = array<i32>} : memref<8x6144xf32, #tpu.memory_space<vmem>>, vector<1x16xf32>,
        %get3A_130 = vector.shape_cast %get3A_129 : vector<1x16xf32> to vector<16xf32>
        %get3A_131 = arith.constant 1 : i32
        %get3A_132 = arith.index_cast %get3A_131 : i32 to index
        %get3A_133 = arith.index_cast %mul3A_126 : i32 to index
        %get3A_134 = tpu.vector_load %arg4[%get3A_132, %get3A_133] {strides = array<i32>} : memref<8x6144xf32, #tpu.memory_space<vmem>>, vector<1x16xf32>,
        %get3A_135 = vector.shape_cast %get3A_134 : vector<1x16xf32> to vector<16xf32>
        %get3A_136 = arith.constant 2 : i32
        %get3A_137 = arith.index_cast %get3A_136 : i32 to index
        %get3A_138 = arith.index_cast %mul3A_126 : i32 to index
        %get3A_139 = tpu.vector_load %arg4[%get3A_137, %get3A_138] {strides = array<i32>} : memref<8x6144xf32, #tpu.memory_space<vmem>>, vector<1x16xf32>,
        %get3A_140 = vector.shape_cast %get3A_139 : vector<1x16xf32> to vector<16xf32>
        %get3A_141 = arith.constant 3 : i32
        %get3A_142 = arith.index_cast %get3A_141 : i32 to index
        %get3A_143 = arith.index_cast %mul3A_126 : i32 to index
        %get3A_144 = tpu.vector_load %arg4[%get3A_142, %get3A_143] {strides = array<i32>} : memref<8x6144xf32, #tpu.memory_space<vmem>>, vector<1x16xf32>,
        %get3A_145 = vector.shape_cast %get3A_144 : vector<1x16xf32> to vector<16xf32>
        %get3A_146 = arith.constant 4 : i32
        %get3A_147 = arith.index_cast %get3A_146 : i32 to index
        %get3A_148 = arith.index_cast %mul3A_126 : i32 to index
        %get3A_149 = tpu.vector_load %arg4[%get3A_147, %get3A_148] {strides = array<i32>} : memref<8x6144xf32, #tpu.memory_space<vmem>>, vector<1x16xf32>,
        %get3A_150 = vector.shape_cast %get3A_149 : vector<1x16xf32> to vector<16xf32>
        %get3A_151 = arith.constant 5 : i32
        %get3A_152 = arith.index_cast %get3A_151 : i32 to index
        %get3A_153 = arith.index_cast %mul3A_126 : i32 to index
        %get3A_154 = tpu.vector_load %arg4[%get3A_152, %get3A_153] {strides = array<i32>} : memref<8x6144xf32, #tpu.memory_space<vmem>>, vector<1x16xf32>,
        %get3A_155 = vector.shape_cast %get3A_154 : vector<1x16xf32> to vector<16xf32>
        %get3A_156 = arith.constant 6 : i32
        %get3A_157 = arith.index_cast %get3A_156 : i32 to index
        %get3A_158 = arith.index_cast %mul3A_126 : i32 to index
        %get3A_159 = tpu.vector_load %arg4[%get3A_157, %get3A_158] {strides = array<i32>} : memref<8x6144xf32, #tpu.memory_space<vmem>>, vector<1x16xf32>,
        %get3A_160 = vector.shape_cast %get3A_159 : vector<1x16xf32> to vector<16xf32>
        %get3A_161 = arith.constant 7 : i32
        %get3A_162 = arith.index_cast %get3A_161 : i32 to index
        %get3A_163 = arith.index_cast %mul3A_126 : i32 to index
        %get3A_164 = tpu.vector_load %arg4[%get3A_162, %get3A_163] {strides = array<i32>} : memref<8x6144xf32, #tpu.memory_space<vmem>>, vector<1x16xf32>,
        %get3A_165 = vector.shape_cast %get3A_164 : vector<1x16xf32> to vector<16xf32>
        %add3A_166 = arith.addf %get3A_130, %get3A_135 : vector<16xf32>
        %add3A_167 = arith.addf %get3A_140, %get3A_145 : vector<16xf32>
        %add3A_168 = arith.addf %get3A_150, %get3A_155 : vector<16xf32>
        %add3A_169 = arith.addf %get3A_160, %get3A_165 : vector<16xf32>
        %add3A_170 = arith.addf %add3A_166, %add3A_167 : vector<16xf32>
        %add3A_171 = arith.addf %add3A_168, %add3A_169 : vector<16xf32>
        %add3A_172 = arith.addf %add3A_170, %add3A_171 : vector<16xf32>
        %swap3A = arith.index_cast %mul3A_126 : i32 to index
        %swap3A_173 = tpu.vector_load %arg6[%swap3A] {strides = array<i32>} : memref<6144xf32, #tpu.memory_space<vmem>>, vector<16xf32>,
        %swap3A_174 = vector.shape_cast %swap3A_173 : vector<16xf32> to vector<16xf32>
        %swap3A_175 = vector.shape_cast %add3A_172 : vector<16xf32> to vector<16xf32>
        tpu.vector_store %arg6[%swap3A], %swap3A_175 {add = true, strides = array<i32>} : memref<6144xf32, #tpu.memory_space<vmem>>, vector<16xf32>,
        %mul3A_176 = arith.constant 8 : i32
        %mul3A_177 = arith.muli %mul3A_176, %scan3A_119 : i32
        %add3A_178 = arith.constant 1 : i32
        %add3A_179 = arith.addi %mul3A_177, %add3A_178 : i32
        %mul3A_180 = arith.constant 16 : i32
        %mul3A_181 = arith.muli %mul3A_180, %add3A_179 : i32
        %get3A_182 = arith.constant 0 : i32
        %get3A_183 = arith.index_cast %get3A_182 : i32 to index
        %get3A_184 = arith.index_cast %mul3A_181 : i32 to index
        %get3A_185 = tpu.vector_load %arg4[%get3A_183, %get3A_184] {strides = array<i32>} : memref<8x6144xf32, #tpu.memory_space<vmem>>, vector<1x16xf32>,
        %get3A_186 = vector.shape_cast %get3A_185 : vector<1x16xf32> to vector<16xf32>
        %get3A_187 = arith.constant 1 : i32
        %get3A_188 = arith.index_cast %get3A_187 : i32 to index
        %get3A_189 = arith.index_cast %mul3A_181 : i32 to index
        %get3A_190 = tpu.vector_load %arg4[%get3A_188, %get3A_189] {strides = array<i32>} : memref<8x6144xf32, #tpu.memory_space<vmem>>, vector<1x16xf32>,
        %get3A_191 = vector.shape_cast %get3A_190 : vector<1x16xf32> to vector<16xf32>
        %get3A_192 = arith.constant 2 : i32
        %get3A_193 = arith.index_cast %get3A_192 : i32 to index
        %get3A_194 = arith.index_cast %mul3A_181 : i32 to index
        %get3A_195 = tpu.vector_load %arg4[%get3A_193, %get3A_194] {strides = array<i32>} : memref<8x6144xf32, #tpu.memory_space<vmem>>, vector<1x16xf32>,
        %get3A_196 = vector.shape_cast %get3A_195 : vector<1x16xf32> to vector<16xf32>
        %get3A_197 = arith.constant 3 : i32
        %get3A_198 = arith.index_cast %get3A_197 : i32 to index
        %get3A_199 = arith.index_cast %mul3A_181 : i32 to index
        %get3A_200 = tpu.vector_load %arg4[%get3A_198, %get3A_199] {strides = array<i32>} : memref<8x6144xf32, #tpu.memory_space<vmem>>, vector<1x16xf32>,
        %get3A_201 = vector.shape_cast %get3A_200 : vector<1x16xf32> to vector<16xf32>
        %get3A_202 = arith.constant 4 : i32
        %get3A_203 = arith.index_cast %get3A_202 : i32 to index
        %get3A_204 = arith.index_cast %mul3A_181 : i32 to index
        %get3A_205 = tpu.vector_load %arg4[%get3A_203, %get3A_204] {strides = array<i32>} : memref<8x6144xf32, #tpu.memory_space<vmem>>, vector<1x16xf32>,
        %get3A_206 = vector.shape_cast %get3A_205 : vector<1x16xf32> to vector<16xf32>
        %get3A_207 = arith.constant 5 : i32
        %get3A_208 = arith.index_cast %get3A_207 : i32 to index
        %get3A_209 = arith.index_cast %mul3A_181 : i32 to index
        %get3A_210 = tpu.vector_load %arg4[%get3A_208, %get3A_209] {strides = array<i32>} : memref<8x6144xf32, #tpu.memory_space<vmem>>, vector<1x16xf32>,
        %get3A_211 = vector.shape_cast %get3A_210 : vector<1x16xf32> to vector<16xf32>
        %get3A_212 = arith.constant 6 : i32
        %get3A_213 = arith.index_cast %get3A_212 : i32 to index
        %get3A_214 = arith.index_cast %mul3A_181 : i32 to index
        %get3A_215 = tpu.vector_load %arg4[%get3A_213, %get3A_214] {strides = array<i32>} : memref<8x6144xf32, #tpu.memory_space<vmem>>, vector<1x16xf32>,
        %get3A_216 = vector.shape_cast %get3A_215 : vector<1x16xf32> to vector<16xf32>
        %get3A_217 = arith.constant 7 : i32
        %get3A_218 = arith.index_cast %get3A_217 : i32 to index
        %get3A_219 = arith.index_cast %mul3A_181 : i32 to index
        %get3A_220 = tpu.vector_load %arg4[%get3A_218, %get3A_219] {strides = array<i32>} : memref<8x6144xf32, #tpu.memory_space<vmem>>, vector<1x16xf32>,
        %get3A_221 = vector.shape_cast %get3A_220 : vector<1x16xf32> to vector<16xf32>
        %add3A_222 = arith.addf %get3A_186, %get3A_191 : vector<16xf32>
        %add3A_223 = arith.addf %get3A_196, %get3A_201 : vector<16xf32>
        %add3A_224 = arith.addf %get3A_206, %get3A_211 : vector<16xf32>
        %add3A_225 = arith.addf %get3A_216, %get3A_221 : vector<16xf32>
        %add3A_226 = arith.addf %add3A_222, %add3A_223 : vector<16xf32>
        %add3A_227 = arith.addf %add3A_224, %add3A_225 : vector<16xf32>
        %add3A_228 = arith.addf %add3A_226, %add3A_227 : vector<16xf32>
        %swap3A_229 = arith.index_cast %mul3A_181 : i32 to index
        %swap3A_230 = tpu.vector_load %arg6[%swap3A_229] {strides = array<i32>} : memref<6144xf32, #tpu.memory_space<vmem>>, vector<16xf32>,
        %swap3A_231 = vector.shape_cast %swap3A_230 : vector<16xf32> to vector<16xf32>
        %swap3A_232 = vector.shape_cast %add3A_228 : vector<16xf32> to vector<16xf32>
        tpu.vector_store %arg6[%swap3A_229], %swap3A_232 {add = true, strides = array<i32>} : memref<6144xf32, #tpu.memory_space<vmem>>, vector<16xf32>,
        %mul3A_233 = arith.constant 8 : i32
        %mul3A_234 = arith.muli %mul3A_233, %scan3A_119 : i32
        %add3A_235 = arith.constant 2 : i32
        %add3A_236 = arith.addi %mul3A_234, %add3A_235 : i32
        %mul3A_237 = arith.constant 16 : i32
        %mul3A_238 = arith.muli %mul3A_237, %add3A_236 : i32
        %get3A_239 = arith.constant 0 : i32
        %get3A_240 = arith.index_cast %get3A_239 : i32 to index
        %get3A_241 = arith.index_cast %mul3A_238 : i32 to index
        %get3A_242 = tpu.vector_load %arg4[%get3A_240, %get3A_241] {strides = array<i32>} : memref<8x6144xf32, #tpu.memory_space<vmem>>, vector<1x16xf32>,
        %get3A_243 = vector.shape_cast %get3A_242 : vector<1x16xf32> to vector<16xf32>
        %get3A_244 = arith.constant 1 : i32
        %get3A_245 = arith.index_cast %get3A_244 : i32 to index
        %get3A_246 = arith.index_cast %mul3A_238 : i32 to index
        %get3A_247 = tpu.vector_load %arg4[%get3A_245, %get3A_246] {strides = array<i32>} : memref<8x6144xf32, #tpu.memory_space<vmem>>, vector<1x16xf32>,
        %get3A_248 = vector.shape_cast %get3A_247 : vector<1x16xf32> to vector<16xf32>
        %get3A_249 = arith.constant 2 : i32
        %get3A_250 = arith.index_cast %get3A_249 : i32 to index
        %get3A_251 = arith.index_cast %mul3A_238 : i32 to index
        %get3A_252 = tpu.vector_load %arg4[%get3A_250, %get3A_251] {strides = array<i32>} : memref<8x6144xf32, #tpu.memory_space<vmem>>, vector<1x16xf32>,
        %get3A_253 = vector.shape_cast %get3A_252 : vector<1x16xf32> to vector<16xf32>
        %get3A_254 = arith.constant 3 : i32
        %get3A_255 = arith.index_cast %get3A_254 : i32 to index
        %get3A_256 = arith.index_cast %mul3A_238 : i32 to index
        %get3A_257 = tpu.vector_load %arg4[%get3A_255, %get3A_256] {strides = array<i32>} : memref<8x6144xf32, #tpu.memory_space<vmem>>, vector<1x16xf32>,
        %get3A_258 = vector.shape_cast %get3A_257 : vector<1x16xf32> to vector<16xf32>
        %get3A_259 = arith.constant 4 : i32
        %get3A_260 = arith.index_cast %get3A_259 : i32 to index
        %get3A_261 = arith.index_cast %mul3A_238 : i32 to index
        %get3A_262 = tpu.vector_load %arg4[%get3A_260, %get3A_261] {strides = array<i32>} : memref<8x6144xf32, #tpu.memory_space<vmem>>, vector<1x16xf32>,
        %get3A_263 = vector.shape_cast %get3A_262 : vector<1x16xf32> to vector<16xf32>
        %get3A_264 = arith.constant 5 : i32
        %get3A_265 = arith.index_cast %get3A_264 : i32 to index
        %get3A_266 = arith.index_cast %mul3A_238 : i32 to index
        %get3A_267 = tpu.vector_load %arg4[%get3A_265, %get3A_266] {strides = array<i32>} : memref<8x6144xf32, #tpu.memory_space<vmem>>, vector<1x16xf32>,
        %get3A_268 = vector.shape_cast %get3A_267 : vector<1x16xf32> to vector<16xf32>
        %get3A_269 = arith.constant 6 : i32
        %get3A_270 = arith.index_cast %get3A_269 : i32 to index
        %get3A_271 = arith.index_cast %mul3A_238 : i32 to index
        %get3A_272 = tpu.vector_load %arg4[%get3A_270, %get3A_271] {strides = array<i32>} : memref<8x6144xf32, #tpu.memory_space<vmem>>, vector<1x16xf32>,
        %get3A_273 = vector.shape_cast %get3A_272 : vector<1x16xf32> to vector<16xf32>
        %get3A_274 = arith.constant 7 : i32
        %get3A_275 = arith.index_cast %get3A_274 : i32 to index
        %get3A_276 = arith.index_cast %mul3A_238 : i32 to index
        %get3A_277 = tpu.vector_load %arg4[%get3A_275, %get3A_276] {strides = array<i32>} : memref<8x6144xf32, #tpu.memory_space<vmem>>, vector<1x16xf32>,
        %get3A_278 = vector.shape_cast %get3A_277 : vector<1x16xf32> to vector<16xf32>
        %add3A_279 = arith.addf %get3A_243, %get3A_248 : vector<16xf32>
        %add3A_280 = arith.addf %get3A_253, %get3A_258 : vector<16xf32>
        %add3A_281 = arith.addf %get3A_263, %get3A_268 : vector<16xf32>
        %add3A_282 = arith.addf %get3A_273, %get3A_278 : vector<16xf32>
        %add3A_283 = arith.addf %add3A_279, %add3A_280 : vector<16xf32>
        %add3A_284 = arith.addf %add3A_281, %add3A_282 : vector<16xf32>
        %add3A_285 = arith.addf %add3A_283, %add3A_284 : vector<16xf32>
        %swap3A_286 = arith.index_cast %mul3A_238 : i32 to index
        %swap3A_287 = tpu.vector_load %arg6[%swap3A_286] {strides = array<i32>} : memref<6144xf32, #tpu.memory_space<vmem>>, vector<16xf32>,
        %swap3A_288 = vector.shape_cast %swap3A_287 : vector<16xf32> to vector<16xf32>
        %swap3A_289 = vector.shape_cast %add3A_285 : vector<16xf32> to vector<16xf32>
        tpu.vector_store %arg6[%swap3A_286], %swap3A_289 {add = true, strides = array<i32>} : memref<6144xf32, #tpu.memory_space<vmem>>, vector<16xf32>,
        %mul3A_290 = arith.constant 8 : i32
        %mul3A_291 = arith.muli %mul3A_290, %scan3A_119 : i32
        %add3A_292 = arith.constant 3 : i32
        %add3A_293 = arith.addi %mul3A_291, %add3A_292 : i32
        %mul3A_294 = arith.constant 16 : i32
        %mul3A_295 = arith.muli %mul3A_294, %add3A_293 : i32
        %get3A_296 = arith.constant 0 : i32
        %get3A_297 = arith.index_cast %get3A_296 : i32 to index
        %get3A_298 = arith.index_cast %mul3A_295 : i32 to index
        %get3A_299 = tpu.vector_load %arg4[%get3A_297, %get3A_298] {strides = array<i32>} : memref<8x6144xf32, #tpu.memory_space<vmem>>, vector<1x16xf32>,
        %get3A_300 = vector.shape_cast %get3A_299 : vector<1x16xf32> to vector<16xf32>
        %get3A_301 = arith.constant 1 : i32
        %get3A_302 = arith.index_cast %get3A_301 : i32 to index
        %get3A_303 = arith.index_cast %mul3A_295 : i32 to index
        %get3A_304 = tpu.vector_load %arg4[%get3A_302, %get3A_303] {strides = array<i32>} : memref<8x6144xf32, #tpu.memory_space<vmem>>, vector<1x16xf32>,
        %get3A_305 = vector.shape_cast %get3A_304 : vector<1x16xf32> to vector<16xf32>
        %get3A_306 = arith.constant 2 : i32
        %get3A_307 = arith.index_cast %get3A_306 : i32 to index
        %get3A_308 = arith.index_cast %mul3A_295 : i32 to index
        %get3A_309 = tpu.vector_load %arg4[%get3A_307, %get3A_308] {strides = array<i32>} : memref<8x6144xf32, #tpu.memory_space<vmem>>, vector<1x16xf32>,
        %get3A_310 = vector.shape_cast %get3A_309 : vector<1x16xf32> to vector<16xf32>
        %get3A_311 = arith.constant 3 : i32
        %get3A_312 = arith.index_cast %get3A_311 : i32 to index
        %get3A_313 = arith.index_cast %mul3A_295 : i32 to index
        %get3A_314 = tpu.vector_load %arg4[%get3A_312, %get3A_313] {strides = array<i32>} : memref<8x6144xf32, #tpu.memory_space<vmem>>, vector<1x16xf32>,
        %get3A_315 = vector.shape_cast %get3A_314 : vector<1x16xf32> to vector<16xf32>
        %get3A_316 = arith.constant 4 : i32
        %get3A_317 = arith.index_cast %get3A_316 : i32 to index
        %get3A_318 = arith.index_cast %mul3A_295 : i32 to index
        %get3A_319 = tpu.vector_load %arg4[%get3A_317, %get3A_318] {strides = array<i32>} : memref<8x6144xf32, #tpu.memory_space<vmem>>, vector<1x16xf32>,
        %get3A_320 = vector.shape_cast %get3A_319 : vector<1x16xf32> to vector<16xf32>
        %get3A_321 = arith.constant 5 : i32
        %get3A_322 = arith.index_cast %get3A_321 : i32 to index
        %get3A_323 = arith.index_cast %mul3A_295 : i32 to index
        %get3A_324 = tpu.vector_load %arg4[%get3A_322, %get3A_323] {strides = array<i32>} : memref<8x6144xf32, #tpu.memory_space<vmem>>, vector<1x16xf32>,
        %get3A_325 = vector.shape_cast %get3A_324 : vector<1x16xf32> to vector<16xf32>
        %get3A_326 = arith.constant 6 : i32
        %get3A_327 = arith.index_cast %get3A_326 : i32 to index
        %get3A_328 = arith.index_cast %mul3A_295 : i32 to index
        %get3A_329 = tpu.vector_load %arg4[%get3A_327, %get3A_328] {strides = array<i32>} : memref<8x6144xf32, #tpu.memory_space<vmem>>, vector<1x16xf32>,
        %get3A_330 = vector.shape_cast %get3A_329 : vector<1x16xf32> to vector<16xf32>
        %get3A_331 = arith.constant 7 : i32
        %get3A_332 = arith.index_cast %get3A_331 : i32 to index
        %get3A_333 = arith.index_cast %mul3A_295 : i32 to index
        %get3A_334 = tpu.vector_load %arg4[%get3A_332, %get3A_333] {strides = array<i32>} : memref<8x6144xf32, #tpu.memory_space<vmem>>, vector<1x16xf32>,
        %get3A_335 = vector.shape_cast %get3A_334 : vector<1x16xf32> to vector<16xf32>
        %add3A_336 = arith.addf %get3A_300, %get3A_305 : vector<16xf32>
        %add3A_337 = arith.addf %get3A_310, %get3A_315 : vector<16xf32>
        %add3A_338 = arith.addf %get3A_320, %get3A_325 : vector<16xf32>
        %add3A_339 = arith.addf %get3A_330, %get3A_335 : vector<16xf32>
        %add3A_340 = arith.addf %add3A_336, %add3A_337 : vector<16xf32>
        %add3A_341 = arith.addf %add3A_338, %add3A_339 : vector<16xf32>
        %add3A_342 = arith.addf %add3A_340, %add3A_341 : vector<16xf32>
        %swap3A_343 = arith.index_cast %mul3A_295 : i32 to index
        %swap3A_344 = tpu.vector_load %arg6[%swap3A_343] {strides = array<i32>} : memref<6144xf32, #tpu.memory_space<vmem>>, vector<16xf32>,
        %swap3A_345 = vector.shape_cast %swap3A_344 : vector<16xf32> to vector<16xf32>
        %swap3A_346 = vector.shape_cast %add3A_342 : vector<16xf32> to vector<16xf32>
        tpu.vector_store %arg6[%swap3A_343], %swap3A_346 {add = true, strides = array<i32>} : memref<6144xf32, #tpu.memory_space<vmem>>, vector<16xf32>,
        %mul3A_347 = arith.constant 8 : i32
        %mul3A_348 = arith.muli %mul3A_347, %scan3A_119 : i32
        %add3A_349 = arith.constant 4 : i32
        %add3A_350 = arith.addi %mul3A_348, %add3A_349 : i32
        %mul3A_351 = arith.constant 16 : i32
        %mul3A_352 = arith.muli %mul3A_351, %add3A_350 : i32
        %get3A_353 = arith.constant 0 : i32
        %get3A_354 = arith.index_cast %get3A_353 : i32 to index
        %get3A_355 = arith.index_cast %mul3A_352 : i32 to index
        %get3A_356 = tpu.vector_load %arg4[%get3A_354, %get3A_355] {strides = array<i32>} : memref<8x6144xf32, #tpu.memory_space<vmem>>, vector<1x16xf32>,
        %get3A_357 = vector.shape_cast %get3A_356 : vector<1x16xf32> to vector<16xf32>
        %get3A_358 = arith.constant 1 : i32
        %get3A_359 = arith.index_cast %get3A_358 : i32 to index
        %get3A_360 = arith.index_cast %mul3A_352 : i32 to index
        %get3A_361 = tpu.vector_load %arg4[%get3A_359, %get3A_360] {strides = array<i32>} : memref<8x6144xf32, #tpu.memory_space<vmem>>, vector<1x16xf32>,
        %get3A_362 = vector.shape_cast %get3A_361 : vector<1x16xf32> to vector<16xf32>
        %get3A_363 = arith.constant 2 : i32
        %get3A_364 = arith.index_cast %get3A_363 : i32 to index
        %get3A_365 = arith.index_cast %mul3A_352 : i32 to index
        %get3A_366 = tpu.vector_load %arg4[%get3A_364, %get3A_365] {strides = array<i32>} : memref<8x6144xf32, #tpu.memory_space<vmem>>, vector<1x16xf32>,
        %get3A_367 = vector.shape_cast %get3A_366 : vector<1x16xf32> to vector<16xf32>
        %get3A_368 = arith.constant 3 : i32
        %get3A_369 = arith.index_cast %get3A_368 : i32 to index
        %get3A_370 = arith.index_cast %mul3A_352 : i32 to index
        %get3A_371 = tpu.vector_load %arg4[%get3A_369, %get3A_370] {strides = array<i32>} : memref<8x6144xf32, #tpu.memory_space<vmem>>, vector<1x16xf32>,
        %get3A_372 = vector.shape_cast %get3A_371 : vector<1x16xf32> to vector<16xf32>
        %get3A_373 = arith.constant 4 : i32
        %get3A_374 = arith.index_cast %get3A_373 : i32 to index
        %get3A_375 = arith.index_cast %mul3A_352 : i32 to index
        %get3A_376 = tpu.vector_load %arg4[%get3A_374, %get3A_375] {strides = array<i32>} : memref<8x6144xf32, #tpu.memory_space<vmem>>, vector<1x16xf32>,
        %get3A_377 = vector.shape_cast %get3A_376 : vector<1x16xf32> to vector<16xf32>
        %get3A_378 = arith.constant 5 : i32
        %get3A_379 = arith.index_cast %get3A_378 : i32 to index
        %get3A_380 = arith.index_cast %mul3A_352 : i32 to index
        %get3A_381 = tpu.vector_load %arg4[%get3A_379, %get3A_380] {strides = array<i32>} : memref<8x6144xf32, #tpu.memory_space<vmem>>, vector<1x16xf32>,
        %get3A_382 = vector.shape_cast %get3A_381 : vector<1x16xf32> to vector<16xf32>
        %get3A_383 = arith.constant 6 : i32
        %get3A_384 = arith.index_cast %get3A_383 : i32 to index
        %get3A_385 = arith.index_cast %mul3A_352 : i32 to index
        %get3A_386 = tpu.vector_load %arg4[%get3A_384, %get3A_385] {strides = array<i32>} : memref<8x6144xf32, #tpu.memory_space<vmem>>, vector<1x16xf32>,
        %get3A_387 = vector.shape_cast %get3A_386 : vector<1x16xf32> to vector<16xf32>
        %get3A_388 = arith.constant 7 : i32
        %get3A_389 = arith.index_cast %get3A_388 : i32 to index
        %get3A_390 = arith.index_cast %mul3A_352 : i32 to index
        %get3A_391 = tpu.vector_load %arg4[%get3A_389, %get3A_390] {strides = array<i32>} : memref<8x6144xf32, #tpu.memory_space<vmem>>, vector<1x16xf32>,
        %get3A_392 = vector.shape_cast %get3A_391 : vector<1x16xf32> to vector<16xf32>
        %add3A_393 = arith.addf %get3A_357, %get3A_362 : vector<16xf32>
        %add3A_394 = arith.addf %get3A_367, %get3A_372 : vector<16xf32>
        %add3A_395 = arith.addf %get3A_377, %get3A_382 : vector<16xf32>
        %add3A_396 = arith.addf %get3A_387, %get3A_392 : vector<16xf32>
        %add3A_397 = arith.addf %add3A_393, %add3A_394 : vector<16xf32>
        %add3A_398 = arith.addf %add3A_395, %add3A_396 : vector<16xf32>
        %add3A_399 = arith.addf %add3A_397, %add3A_398 : vector<16xf32>
        %swap3A_400 = arith.index_cast %mul3A_352 : i32 to index
        %swap3A_401 = tpu.vector_load %arg6[%swap3A_400] {strides = array<i32>} : memref<6144xf32, #tpu.memory_space<vmem>>, vector<16xf32>,
        %swap3A_402 = vector.shape_cast %swap3A_401 : vector<16xf32> to vector<16xf32>
        %swap3A_403 = vector.shape_cast %add3A_399 : vector<16xf32> to vector<16xf32>
        tpu.vector_store %arg6[%swap3A_400], %swap3A_403 {add = true, strides = array<i32>} : memref<6144xf32, #tpu.memory_space<vmem>>, vector<16xf32>,
        %mul3A_404 = arith.constant 8 : i32
        %mul3A_405 = arith.muli %mul3A_404, %scan3A_119 : i32
        %add3A_406 = arith.constant 5 : i32
        %add3A_407 = arith.addi %mul3A_405, %add3A_406 : i32
        %mul3A_408 = arith.constant 16 : i32
        %mul3A_409 = arith.muli %mul3A_408, %add3A_407 : i32
        %get3A_410 = arith.constant 0 : i32
        %get3A_411 = arith.index_cast %get3A_410 : i32 to index
        %get3A_412 = arith.index_cast %mul3A_409 : i32 to index
        %get3A_413 = tpu.vector_load %arg4[%get3A_411, %get3A_412] {strides = array<i32>} : memref<8x6144xf32, #tpu.memory_space<vmem>>, vector<1x16xf32>,
        %get3A_414 = vector.shape_cast %get3A_413 : vector<1x16xf32> to vector<16xf32>
        %get3A_415 = arith.constant 1 : i32
        %get3A_416 = arith.index_cast %get3A_415 : i32 to index
        %get3A_417 = arith.index_cast %mul3A_409 : i32 to index
        %get3A_418 = tpu.vector_load %arg4[%get3A_416, %get3A_417] {strides = array<i32>} : memref<8x6144xf32, #tpu.memory_space<vmem>>, vector<1x16xf32>,
        %get3A_419 = vector.shape_cast %get3A_418 : vector<1x16xf32> to vector<16xf32>
        %get3A_420 = arith.constant 2 : i32
        %get3A_421 = arith.index_cast %get3A_420 : i32 to index
        %get3A_422 = arith.index_cast %mul3A_409 : i32 to index
        %get3A_423 = tpu.vector_load %arg4[%get3A_421, %get3A_422] {strides = array<i32>} : memref<8x6144xf32, #tpu.memory_space<vmem>>, vector<1x16xf32>,
        %get3A_424 = vector.shape_cast %get3A_423 : vector<1x16xf32> to vector<16xf32>
        %get3A_425 = arith.constant 3 : i32
        %get3A_426 = arith.index_cast %get3A_425 : i32 to index
        %get3A_427 = arith.index_cast %mul3A_409 : i32 to index
        %get3A_428 = tpu.vector_load %arg4[%get3A_426, %get3A_427] {strides = array<i32>} : memref<8x6144xf32, #tpu.memory_space<vmem>>, vector<1x16xf32>,
        %get3A_429 = vector.shape_cast %get3A_428 : vector<1x16xf32> to vector<16xf32>
        %get3A_430 = arith.constant 4 : i32
        %get3A_431 = arith.index_cast %get3A_430 : i32 to index
        %get3A_432 = arith.index_cast %mul3A_409 : i32 to index
        %get3A_433 = tpu.vector_load %arg4[%get3A_431, %get3A_432] {strides = array<i32>} : memref<8x6144xf32, #tpu.memory_space<vmem>>, vector<1x16xf32>,
        %get3A_434 = vector.shape_cast %get3A_433 : vector<1x16xf32> to vector<16xf32>
        %get3A_435 = arith.constant 5 : i32
        %get3A_436 = arith.index_cast %get3A_435 : i32 to index
        %get3A_437 = arith.index_cast %mul3A_409 : i32 to index
        %get3A_438 = tpu.vector_load %arg4[%get3A_436, %get3A_437] {strides = array<i32>} : memref<8x6144xf32, #tpu.memory_space<vmem>>, vector<1x16xf32>,
        %get3A_439 = vector.shape_cast %get3A_438 : vector<1x16xf32> to vector<16xf32>
        %get3A_440 = arith.constant 6 : i32
        %get3A_441 = arith.index_cast %get3A_440 : i32 to index
        %get3A_442 = arith.index_cast %mul3A_409 : i32 to index
        %get3A_443 = tpu.vector_load %arg4[%get3A_441, %get3A_442] {strides = array<i32>} : memref<8x6144xf32, #tpu.memory_space<vmem>>, vector<1x16xf32>,
        %get3A_444 = vector.shape_cast %get3A_443 : vector<1x16xf32> to vector<16xf32>
        %get3A_445 = arith.constant 7 : i32
        %get3A_446 = arith.index_cast %get3A_445 : i32 to index
        %get3A_447 = arith.index_cast %mul3A_409 : i32 to index
        %get3A_448 = tpu.vector_load %arg4[%get3A_446, %get3A_447] {strides = array<i32>} : memref<8x6144xf32, #tpu.memory_space<vmem>>, vector<1x16xf32>,
        %get3A_449 = vector.shape_cast %get3A_448 : vector<1x16xf32> to vector<16xf32>
        %add3A_450 = arith.addf %get3A_414, %get3A_419 : vector<16xf32>
        %add3A_451 = arith.addf %get3A_424, %get3A_429 : vector<16xf32>
        %add3A_452 = arith.addf %get3A_434, %get3A_439 : vector<16xf32>
        %add3A_453 = arith.addf %get3A_444, %get3A_449 : vector<16xf32>
        %add3A_454 = arith.addf %add3A_450, %add3A_451 : vector<16xf32>
        %add3A_455 = arith.addf %add3A_452, %add3A_453 : vector<16xf32>
        %add3A_456 = arith.addf %add3A_454, %add3A_455 : vector<16xf32>
        %swap3A_457 = arith.index_cast %mul3A_409 : i32 to index
        %swap3A_458 = tpu.vector_load %arg6[%swap3A_457] {strides = array<i32>} : memref<6144xf32, #tpu.memory_space<vmem>>, vector<16xf32>,
        %swap3A_459 = vector.shape_cast %swap3A_458 : vector<16xf32> to vector<16xf32>
        %swap3A_460 = vector.shape_cast %add3A_456 : vector<16xf32> to vector<16xf32>
        tpu.vector_store %arg6[%swap3A_457], %swap3A_460 {add = true, strides = array<i32>} : memref<6144xf32, #tpu.memory_space<vmem>>, vector<16xf32>,
        %mul3A_461 = arith.constant 8 : i32
        %mul3A_462 = arith.muli %mul3A_461, %scan3A_119 : i32
        %add3A_463 = arith.constant 6 : i32
        %add3A_464 = arith.addi %mul3A_462, %add3A_463 : i32
        %mul3A_465 = arith.constant 16 : i32
        %mul3A_466 = arith.muli %mul3A_465, %add3A_464 : i32
        %get3A_467 = arith.constant 0 : i32
        %get3A_468 = arith.index_cast %get3A_467 : i32 to index
        %get3A_469 = arith.index_cast %mul3A_466 : i32 to index
        %get3A_470 = tpu.vector_load %arg4[%get3A_468, %get3A_469] {strides = array<i32>} : memref<8x6144xf32, #tpu.memory_space<vmem>>, vector<1x16xf32>,
        %get3A_471 = vector.shape_cast %get3A_470 : vector<1x16xf32> to vector<16xf32>
        %get3A_472 = arith.constant 1 : i32
        %get3A_473 = arith.index_cast %get3A_472 : i32 to index
        %get3A_474 = arith.index_cast %mul3A_466 : i32 to index
        %get3A_475 = tpu.vector_load %arg4[%get3A_473, %get3A_474] {strides = array<i32>} : memref<8x6144xf32, #tpu.memory_space<vmem>>, vector<1x16xf32>,
        %get3A_476 = vector.shape_cast %get3A_475 : vector<1x16xf32> to vector<16xf32>
        %get3A_477 = arith.constant 2 : i32
        %get3A_478 = arith.index_cast %get3A_477 : i32 to index
        %get3A_479 = arith.index_cast %mul3A_466 : i32 to index
        %get3A_480 = tpu.vector_load %arg4[%get3A_478, %get3A_479] {strides = array<i32>} : memref<8x6144xf32, #tpu.memory_space<vmem>>, vector<1x16xf32>,
        %get3A_481 = vector.shape_cast %get3A_480 : vector<1x16xf32> to vector<16xf32>
        %get3A_482 = arith.constant 3 : i32
        %get3A_483 = arith.index_cast %get3A_482 : i32 to index
        %get3A_484 = arith.index_cast %mul3A_466 : i32 to index
        %get3A_485 = tpu.vector_load %arg4[%get3A_483, %get3A_484] {strides = array<i32>} : memref<8x6144xf32, #tpu.memory_space<vmem>>, vector<1x16xf32>,
        %get3A_486 = vector.shape_cast %get3A_485 : vector<1x16xf32> to vector<16xf32>
        %get3A_487 = arith.constant 4 : i32
        %get3A_488 = arith.index_cast %get3A_487 : i32 to index
        %get3A_489 = arith.index_cast %mul3A_466 : i32 to index
        %get3A_490 = tpu.vector_load %arg4[%get3A_488, %get3A_489] {strides = array<i32>} : memref<8x6144xf32, #tpu.memory_space<vmem>>, vector<1x16xf32>,
        %get3A_491 = vector.shape_cast %get3A_490 : vector<1x16xf32> to vector<16xf32>
        %get3A_492 = arith.constant 5 : i32
        %get3A_493 = arith.index_cast %get3A_492 : i32 to index
        %get3A_494 = arith.index_cast %mul3A_466 : i32 to index
        %get3A_495 = tpu.vector_load %arg4[%get3A_493, %get3A_494] {strides = array<i32>} : memref<8x6144xf32, #tpu.memory_space<vmem>>, vector<1x16xf32>,
        %get3A_496 = vector.shape_cast %get3A_495 : vector<1x16xf32> to vector<16xf32>
        %get3A_497 = arith.constant 6 : i32
        %get3A_498 = arith.index_cast %get3A_497 : i32 to index
        %get3A_499 = arith.index_cast %mul3A_466 : i32 to index
        %get3A_500 = tpu.vector_load %arg4[%get3A_498, %get3A_499] {strides = array<i32>} : memref<8x6144xf32, #tpu.memory_space<vmem>>, vector<1x16xf32>,
        %get3A_501 = vector.shape_cast %get3A_500 : vector<1x16xf32> to vector<16xf32>
        %get3A_502 = arith.constant 7 : i32
        %get3A_503 = arith.index_cast %get3A_502 : i32 to index
        %get3A_504 = arith.index_cast %mul3A_466 : i32 to index
        %get3A_505 = tpu.vector_load %arg4[%get3A_503, %get3A_504] {strides = array<i32>} : memref<8x6144xf32, #tpu.memory_space<vmem>>, vector<1x16xf32>,
        %get3A_506 = vector.shape_cast %get3A_505 : vector<1x16xf32> to vector<16xf32>
        %add3A_507 = arith.addf %get3A_471, %get3A_476 : vector<16xf32>
        %add3A_508 = arith.addf %get3A_481, %get3A_486 : vector<16xf32>
        %add3A_509 = arith.addf %get3A_491, %get3A_496 : vector<16xf32>
        %add3A_510 = arith.addf %get3A_501, %get3A_506 : vector<16xf32>
        %add3A_511 = arith.addf %add3A_507, %add3A_508 : vector<16xf32>
        %add3A_512 = arith.addf %add3A_509, %add3A_510 : vector<16xf32>
        %add3A_513 = arith.addf %add3A_511, %add3A_512 : vector<16xf32>
        %swap3A_514 = arith.index_cast %mul3A_466 : i32 to index
        %swap3A_515 = tpu.vector_load %arg6[%swap3A_514] {strides = array<i32>} : memref<6144xf32, #tpu.memory_space<vmem>>, vector<16xf32>,
        %swap3A_516 = vector.shape_cast %swap3A_515 : vector<16xf32> to vector<16xf32>
        %swap3A_517 = vector.shape_cast %add3A_513 : vector<16xf32> to vector<16xf32>
        tpu.vector_store %arg6[%swap3A_514], %swap3A_517 {add = true, strides = array<i32>} : memref<6144xf32, #tpu.memory_space<vmem>>, vector<16xf32>,
        %mul3A_518 = arith.constant 8 : i32
        %mul3A_519 = arith.muli %mul3A_518, %scan3A_119 : i32
        %add3A_520 = arith.constant 7 : i32
        %add3A_521 = arith.addi %mul3A_519, %add3A_520 : i32
        %mul3A_522 = arith.constant 16 : i32
        %mul3A_523 = arith.muli %mul3A_522, %add3A_521 : i32
        %get3A_524 = arith.constant 0 : i32
        %get3A_525 = arith.index_cast %get3A_524 : i32 to index
        %get3A_526 = arith.index_cast %mul3A_523 : i32 to index
        %get3A_527 = tpu.vector_load %arg4[%get3A_525, %get3A_526] {strides = array<i32>} : memref<8x6144xf32, #tpu.memory_space<vmem>>, vector<1x16xf32>,
        %get3A_528 = vector.shape_cast %get3A_527 : vector<1x16xf32> to vector<16xf32>
        %get3A_529 = arith.constant 1 : i32
        %get3A_530 = arith.index_cast %get3A_529 : i32 to index
        %get3A_531 = arith.index_cast %mul3A_523 : i32 to index
        %get3A_532 = tpu.vector_load %arg4[%get3A_530, %get3A_531] {strides = array<i32>} : memref<8x6144xf32, #tpu.memory_space<vmem>>, vector<1x16xf32>,
        %get3A_533 = vector.shape_cast %get3A_532 : vector<1x16xf32> to vector<16xf32>
        %get3A_534 = arith.constant 2 : i32
        %get3A_535 = arith.index_cast %get3A_534 : i32 to index
        %get3A_536 = arith.index_cast %mul3A_523 : i32 to index
        %get3A_537 = tpu.vector_load %arg4[%get3A_535, %get3A_536] {strides = array<i32>} : memref<8x6144xf32, #tpu.memory_space<vmem>>, vector<1x16xf32>,
        %get3A_538 = vector.shape_cast %get3A_537 : vector<1x16xf32> to vector<16xf32>
        %get3A_539 = arith.constant 3 : i32
        %get3A_540 = arith.index_cast %get3A_539 : i32 to index
        %get3A_541 = arith.index_cast %mul3A_523 : i32 to index
        %get3A_542 = tpu.vector_load %arg4[%get3A_540, %get3A_541] {strides = array<i32>} : memref<8x6144xf32, #tpu.memory_space<vmem>>, vector<1x16xf32>,
        %get3A_543 = vector.shape_cast %get3A_542 : vector<1x16xf32> to vector<16xf32>
        %get3A_544 = arith.constant 4 : i32
        %get3A_545 = arith.index_cast %get3A_544 : i32 to index
        %get3A_546 = arith.index_cast %mul3A_523 : i32 to index
        %get3A_547 = tpu.vector_load %arg4[%get3A_545, %get3A_546] {strides = array<i32>} : memref<8x6144xf32, #tpu.memory_space<vmem>>, vector<1x16xf32>,
        %get3A_548 = vector.shape_cast %get3A_547 : vector<1x16xf32> to vector<16xf32>
        %get3A_549 = arith.constant 5 : i32
        %get3A_550 = arith.index_cast %get3A_549 : i32 to index
        %get3A_551 = arith.index_cast %mul3A_523 : i32 to index
        %get3A_552 = tpu.vector_load %arg4[%get3A_550, %get3A_551] {strides = array<i32>} : memref<8x6144xf32, #tpu.memory_space<vmem>>, vector<1x16xf32>,
        %get3A_553 = vector.shape_cast %get3A_552 : vector<1x16xf32> to vector<16xf32>
        %get3A_554 = arith.constant 6 : i32
        %get3A_555 = arith.index_cast %get3A_554 : i32 to index
        %get3A_556 = arith.index_cast %mul3A_523 : i32 to index
        %get3A_557 = tpu.vector_load %arg4[%get3A_555, %get3A_556] {strides = array<i32>} : memref<8x6144xf32, #tpu.memory_space<vmem>>, vector<1x16xf32>,
        %get3A_558 = vector.shape_cast %get3A_557 : vector<1x16xf32> to vector<16xf32>
        %get3A_559 = arith.constant 7 : i32
        %get3A_560 = arith.index_cast %get3A_559 : i32 to index
        %get3A_561 = arith.index_cast %mul3A_523 : i32 to index
        %get3A_562 = tpu.vector_load %arg4[%get3A_560, %get3A_561] {strides = array<i32>} : memref<8x6144xf32, #tpu.memory_space<vmem>>, vector<1x16xf32>,
        %get3A_563 = vector.shape_cast %get3A_562 : vector<1x16xf32> to vector<16xf32>
        %add3A_564 = arith.addf %get3A_528, %get3A_533 : vector<16xf32>
        %add3A_565 = arith.addf %get3A_538, %get3A_543 : vector<16xf32>
        %add3A_566 = arith.addf %get3A_548, %get3A_553 : vector<16xf32>
        %add3A_567 = arith.addf %get3A_558, %get3A_563 : vector<16xf32>
        %add3A_568 = arith.addf %add3A_564, %add3A_565 : vector<16xf32>
        %add3A_569 = arith.addf %add3A_566, %add3A_567 : vector<16xf32>
        %add3A_570 = arith.addf %add3A_568, %add3A_569 : vector<16xf32>
        %swap3A_571 = arith.index_cast %mul3A_523 : i32 to index
        %swap3A_572 = tpu.vector_load %arg6[%swap3A_571] {strides = array<i32>} : memref<6144xf32, #tpu.memory_space<vmem>>, vector<16xf32>,
        %swap3A_573 = vector.shape_cast %swap3A_572 : vector<16xf32> to vector<16xf32>
        %swap3A_574 = vector.shape_cast %add3A_570 : vector<16xf32> to vector<16xf32>
        tpu.vector_store %arg6[%swap3A_571], %swap3A_574 {add = true, strides = array<i32>} : memref<6144xf32, #tpu.memory_space<vmem>>, vector<16xf32>,
        %scan3A_575 = arith.constant 0 : i32
        scf.yield %scan3A_575 : i32
      }
      %scan3A_81 = arith.constant 48 : i32
      %mul3A_82 = arith.constant 2 : i32
      %mul3A_83 = arith.muli %mul3A_82, %scan3A_63 : i32
      %add3A_84 = arith.constant 2 : i32
      %add3A_85 = arith.addi %mul3A_83, %add3A_84 : i32
      %lt3A_86 = arith.constant 16 : i32
      %lt3A_87 = arith.cmpi slt, %add3A_85, %lt3A_86 : i32
      %convert_element_type3A = arith.extui %lt3A_87 : i1 to i32
      %cond3A = arith.constant 0 : i32
      %cond3A_88 = arith.cmpi ne, %convert_element_type3A, %cond3A : i32
      scf.if %cond3A_88 {
        %mul3A_119 = arith.constant 2 : i32
        %mul3A_120 = arith.muli %mul3A_119, %scan3A_63 : i32
        %add3A_121 = arith.constant 2 : i32
        %add3A_122 = arith.addi %mul3A_120, %add3A_121 : i32
        %mul3A_123 = arith.constant 8 : i32
        %mul3A_124 = arith.muli %add3A_122, %mul3A_123 : i32
        %add3A_125 = arith.addi %add3A_34, %mul3A_124 : i32
        %dma_start3A_126 = arith.constant 0 : i32
        %dma_start3A_127 = tpu.memref_slice %arg2[%select_n3A, %add3A_125, %dma_start3A_126] : memref<4x4096x6144xf32, #tpu.memory_space<hbm>> -> memref<1x8x6144xf32, #tpu.memory_space<hbm>>
        %dma_start3A_128 = tpu.memref_squeeze %dma_start3A_127 : memref<1x8x6144xf32, #tpu.memory_space<hbm>> -> memref<8x6144xf32, #tpu.memory_space<hbm>>
        %dma_start3A_129 = arith.constant 0 : i32
        %dma_start3A_130 = tpu.memref_slice %arg2[%select_n3A, %add3A_125, %dma_start3A_129] : memref<4x4096x6144xf32, #tpu.memory_space<hbm>> -> memref<1x8x6144xf32, #tpu.memory_space<hbm>>
        %dma_start3A_131 = tpu.memref_squeeze %dma_start3A_130 : memref<1x8x6144xf32, #tpu.memory_space<hbm>> -> memref<8x6144xf32, #tpu.memory_space<hbm>>
        tpu.enqueue_dma source(%dma_start3A_131 : memref<8x6144xf32, #tpu.memory_space<hbm>>) target(%arg4 : memref<8x6144xf32, #tpu.memory_space<vmem>>) target_semaphore(%arg7 : memref<!tpu.dma_semaphore, #tpu.memory_space<semaphore_mem>>)
      } else {
      }
      %mul3A_89 = arith.constant 2 : i32
      %mul3A_90 = arith.muli %mul3A_89, %scan3A_63 : i32
      %add3A_91 = arith.constant 1 : i32
      %add3A_92 = arith.addi %mul3A_90, %add3A_91 : i32
      %mul3A_93 = arith.constant 8 : i32
      %mul3A_94 = arith.muli %add3A_92, %mul3A_93 : i32
      %add3A_95 = arith.addi %add3A_34, %mul3A_94 : i32
      %dma_wait3A_96 = arith.constant 0 : i32
      %dma_wait3A_97 = tpu.memref_slice %arg2[%select_n3A, %add3A_95, %dma_wait3A_96] : memref<4x4096x6144xf32, #tpu.memory_space<hbm>> -> memref<1x8x6144xf32, #tpu.memory_space<hbm>>
      %dma_wait3A_98 = tpu.memref_squeeze %dma_wait3A_97 : memref<1x8x6144xf32, #tpu.memory_space<hbm>> -> memref<8x6144xf32, #tpu.memory_space<hbm>>
      %dma_wait3A_99 = arith.constant 0 : i32
      %dma_wait3A_100 = tpu.memref_slice %arg2[%select_n3A, %add3A_95, %dma_wait3A_99] : memref<4x4096x6144xf32, #tpu.memory_space<hbm>> -> memref<1x8x6144xf32, #tpu.memory_space<hbm>>
      %dma_wait3A_101 = tpu.memref_squeeze %dma_wait3A_100 : memref<1x8x6144xf32, #tpu.memory_space<hbm>> -> memref<8x6144xf32, #tpu.memory_space<hbm>>
      tpu.wait_dma2 semaphore(%arg8 : memref<!tpu.dma_semaphore, #tpu.memory_space<semaphore_mem>>) src(%dma_wait3A_101 : memref<8x6144xf32, #tpu.memory_space<hbm>>) dst(%arg5 : memref<8x6144xf32, #tpu.memory_space<vmem>>)
      %scan3A_102 = arith.constant 0 : i32
      %scan3A_103 = arith.constant 0 : i32
      %scan3A_104 = arith.constant 48 : i32
      %scan3A_105 = arith.addi %scan3A_103, %scan3A_104 : i32
      %scan3A_106 = arith.constant 1 : i32
      %scan3A_107 = scf.for %scan3A_119 = %scan3A_103 to %scan3A_105 step %scan3A_106 iter_args(%scan3A_120 = %scan3A_102) -> (i32)  : i32 {
        %mul3A_121 = arith.constant 8 : i32
        %mul3A_122 = arith.muli %mul3A_121, %scan3A_119 : i32
        %add3A_123 = arith.constant 0 : i32
        %add3A_124 = arith.addi %mul3A_122, %add3A_123 : i32
        %mul3A_125 = arith.constant 16 : i32
        %mul3A_126 = arith.muli %mul3A_125, %add3A_124 : i32
        %get3A = arith.constant 0 : i32
        %get3A_127 = arith.index_cast %get3A : i32 to index
        %get3A_128 = arith.index_cast %mul3A_126 : i32 to index
        %get3A_129 = tpu.vector_load %arg5[%get3A_127, %get3A_128] {strides = array<i32>} : memref<8x6144xf32, #tpu.memory_space<vmem>>, vector<1x16xf32>,
        %get3A_130 = vector.shape_cast %get3A_129 : vector<1x16xf32> to vector<16xf32>
        %get3A_131 = arith.constant 1 : i32
        %get3A_132 = arith.index_cast %get3A_131 : i32 to index
        %get3A_133 = arith.index_cast %mul3A_126 : i32 to index
        %get3A_134 = tpu.vector_load %arg5[%get3A_132, %get3A_133] {strides = array<i32>} : memref<8x6144xf32, #tpu.memory_space<vmem>>, vector<1x16xf32>,
        %get3A_135 = vector.shape_cast %get3A_134 : vector<1x16xf32> to vector<16xf32>
        %get3A_136 = arith.constant 2 : i32
        %get3A_137 = arith.index_cast %get3A_136 : i32 to index
        %get3A_138 = arith.index_cast %mul3A_126 : i32 to index
        %get3A_139 = tpu.vector_load %arg5[%get3A_137, %get3A_138] {strides = array<i32>} : memref<8x6144xf32, #tpu.memory_space<vmem>>, vector<1x16xf32>,
        %get3A_140 = vector.shape_cast %get3A_139 : vector<1x16xf32> to vector<16xf32>
        %get3A_141 = arith.constant 3 : i32
        %get3A_142 = arith.index_cast %get3A_141 : i32 to index
        %get3A_143 = arith.index_cast %mul3A_126 : i32 to index
        %get3A_144 = tpu.vector_load %arg5[%get3A_142, %get3A_143] {strides = array<i32>} : memref<8x6144xf32, #tpu.memory_space<vmem>>, vector<1x16xf32>,
        %get3A_145 = vector.shape_cast %get3A_144 : vector<1x16xf32> to vector<16xf32>
        %get3A_146 = arith.constant 4 : i32
        %get3A_147 = arith.index_cast %get3A_146 : i32 to index
        %get3A_148 = arith.index_cast %mul3A_126 : i32 to index
        %get3A_149 = tpu.vector_load %arg5[%get3A_147, %get3A_148] {strides = array<i32>} : memref<8x6144xf32, #tpu.memory_space<vmem>>, vector<1x16xf32>,
        %get3A_150 = vector.shape_cast %get3A_149 : vector<1x16xf32> to vector<16xf32>
        %get3A_151 = arith.constant 5 : i32
        %get3A_152 = arith.index_cast %get3A_151 : i32 to index
        %get3A_153 = arith.index_cast %mul3A_126 : i32 to index
        %get3A_154 = tpu.vector_load %arg5[%get3A_152, %get3A_153] {strides = array<i32>} : memref<8x6144xf32, #tpu.memory_space<vmem>>, vector<1x16xf32>,
        %get3A_155 = vector.shape_cast %get3A_154 : vector<1x16xf32> to vector<16xf32>
        %get3A_156 = arith.constant 6 : i32
        %get3A_157 = arith.index_cast %get3A_156 : i32 to index
        %get3A_158 = arith.index_cast %mul3A_126 : i32 to index
        %get3A_159 = tpu.vector_load %arg5[%get3A_157, %get3A_158] {strides = array<i32>} : memref<8x6144xf32, #tpu.memory_space<vmem>>, vector<1x16xf32>,
        %get3A_160 = vector.shape_cast %get3A_159 : vector<1x16xf32> to vector<16xf32>
        %get3A_161 = arith.constant 7 : i32
        %get3A_162 = arith.index_cast %get3A_161 : i32 to index
        %get3A_163 = arith.index_cast %mul3A_126 : i32 to index
        %get3A_164 = tpu.vector_load %arg5[%get3A_162, %get3A_163] {strides = array<i32>} : memref<8x6144xf32, #tpu.memory_space<vmem>>, vector<1x16xf32>,
        %get3A_165 = vector.shape_cast %get3A_164 : vector<1x16xf32> to vector<16xf32>
        %add3A_166 = arith.addf %get3A_130, %get3A_135 : vector<16xf32>
        %add3A_167 = arith.addf %get3A_140, %get3A_145 : vector<16xf32>
        %add3A_168 = arith.addf %get3A_150, %get3A_155 : vector<16xf32>
        %add3A_169 = arith.addf %get3A_160, %get3A_165 : vector<16xf32>
        %add3A_170 = arith.addf %add3A_166, %add3A_167 : vector<16xf32>
        %add3A_171 = arith.addf %add3A_168, %add3A_169 : vector<16xf32>
        %add3A_172 = arith.addf %add3A_170, %add3A_171 : vector<16xf32>
        %swap3A = arith.index_cast %mul3A_126 : i32 to index
        %swap3A_173 = tpu.vector_load %arg6[%swap3A] {strides = array<i32>} : memref<6144xf32, #tpu.memory_space<vmem>>, vector<16xf32>,
        %swap3A_174 = vector.shape_cast %swap3A_173 : vector<16xf32> to vector<16xf32>
        %swap3A_175 = vector.shape_cast %add3A_172 : vector<16xf32> to vector<16xf32>
        tpu.vector_store %arg6[%swap3A], %swap3A_175 {add = true, strides = array<i32>} : memref<6144xf32, #tpu.memory_space<vmem>>, vector<16xf32>,
        %mul3A_176 = arith.constant 8 : i32
        %mul3A_177 = arith.muli %mul3A_176, %scan3A_119 : i32
        %add3A_178 = arith.constant 1 : i32
        %add3A_179 = arith.addi %mul3A_177, %add3A_178 : i32
        %mul3A_180 = arith.constant 16 : i32
        %mul3A_181 = arith.muli %mul3A_180, %add3A_179 : i32
        %get3A_182 = arith.constant 0 : i32
        %get3A_183 = arith.index_cast %get3A_182 : i32 to index
        %get3A_184 = arith.index_cast %mul3A_181 : i32 to index
        %get3A_185 = tpu.vector_load %arg5[%get3A_183, %get3A_184] {strides = array<i32>} : memref<8x6144xf32, #tpu.memory_space<vmem>>, vector<1x16xf32>,
        %get3A_186 = vector.shape_cast %get3A_185 : vector<1x16xf32> to vector<16xf32>
        %get3A_187 = arith.constant 1 : i32
        %get3A_188 = arith.index_cast %get3A_187 : i32 to index
        %get3A_189 = arith.index_cast %mul3A_181 : i32 to index
        %get3A_190 = tpu.vector_load %arg5[%get3A_188, %get3A_189] {strides = array<i32>} : memref<8x6144xf32, #tpu.memory_space<vmem>>, vector<1x16xf32>,
        %get3A_191 = vector.shape_cast %get3A_190 : vector<1x16xf32> to vector<16xf32>
        %get3A_192 = arith.constant 2 : i32
        %get3A_193 = arith.index_cast %get3A_192 : i32 to index
        %get3A_194 = arith.index_cast %mul3A_181 : i32 to index
        %get3A_195 = tpu.vector_load %arg5[%get3A_193, %get3A_194] {strides = array<i32>} : memref<8x6144xf32, #tpu.memory_space<vmem>>, vector<1x16xf32>,
        %get3A_196 = vector.shape_cast %get3A_195 : vector<1x16xf32> to vector<16xf32>
        %get3A_197 = arith.constant 3 : i32
        %get3A_198 = arith.index_cast %get3A_197 : i32 to index
        %get3A_199 = arith.index_cast %mul3A_181 : i32 to index
        %get3A_200 = tpu.vector_load %arg5[%get3A_198, %get3A_199] {strides = array<i32>} : memref<8x6144xf32, #tpu.memory_space<vmem>>, vector<1x16xf32>,
        %get3A_201 = vector.shape_cast %get3A_200 : vector<1x16xf32> to vector<16xf32>
        %get3A_202 = arith.constant 4 : i32
        %get3A_203 = arith.index_cast %get3A_202 : i32 to index
        %get3A_204 = arith.index_cast %mul3A_181 : i32 to index
        %get3A_205 = tpu.vector_load %arg5[%get3A_203, %get3A_204] {strides = array<i32>} : memref<8x6144xf32, #tpu.memory_space<vmem>>, vector<1x16xf32>,
        %get3A_206 = vector.shape_cast %get3A_205 : vector<1x16xf32> to vector<16xf32>
        %get3A_207 = arith.constant 5 : i32
        %get3A_208 = arith.index_cast %get3A_207 : i32 to index
        %get3A_209 = arith.index_cast %mul3A_181 : i32 to index
        %get3A_210 = tpu.vector_load %arg5[%get3A_208, %get3A_209] {strides = array<i32>} : memref<8x6144xf32, #tpu.memory_space<vmem>>, vector<1x16xf32>,
        %get3A_211 = vector.shape_cast %get3A_210 : vector<1x16xf32> to vector<16xf32>
        %get3A_212 = arith.constant 6 : i32
        %get3A_213 = arith.index_cast %get3A_212 : i32 to index
        %get3A_214 = arith.index_cast %mul3A_181 : i32 to index
        %get3A_215 = tpu.vector_load %arg5[%get3A_213, %get3A_214] {strides = array<i32>} : memref<8x6144xf32, #tpu.memory_space<vmem>>, vector<1x16xf32>,
        %get3A_216 = vector.shape_cast %get3A_215 : vector<1x16xf32> to vector<16xf32>
        %get3A_217 = arith.constant 7 : i32
        %get3A_218 = arith.index_cast %get3A_217 : i32 to index
        %get3A_219 = arith.index_cast %mul3A_181 : i32 to index
        %get3A_220 = tpu.vector_load %arg5[%get3A_218, %get3A_219] {strides = array<i32>} : memref<8x6144xf32, #tpu.memory_space<vmem>>, vector<1x16xf32>,
        %get3A_221 = vector.shape_cast %get3A_220 : vector<1x16xf32> to vector<16xf32>
        %add3A_222 = arith.addf %get3A_186, %get3A_191 : vector<16xf32>
        %add3A_223 = arith.addf %get3A_196, %get3A_201 : vector<16xf32>
        %add3A_224 = arith.addf %get3A_206, %get3A_211 : vector<16xf32>
        %add3A_225 = arith.addf %get3A_216, %get3A_221 : vector<16xf32>
        %add3A_226 = arith.addf %add3A_222, %add3A_223 : vector<16xf32>
        %add3A_227 = arith.addf %add3A_224, %add3A_225 : vector<16xf32>
        %add3A_228 = arith.addf %add3A_226, %add3A_227 : vector<16xf32>
        %swap3A_229 = arith.index_cast %mul3A_181 : i32 to index
        %swap3A_230 = tpu.vector_load %arg6[%swap3A_229] {strides = array<i32>} : memref<6144xf32, #tpu.memory_space<vmem>>, vector<16xf32>,
        %swap3A_231 = vector.shape_cast %swap3A_230 : vector<16xf32> to vector<16xf32>
        %swap3A_232 = vector.shape_cast %add3A_228 : vector<16xf32> to vector<16xf32>
        tpu.vector_store %arg6[%swap3A_229], %swap3A_232 {add = true, strides = array<i32>} : memref<6144xf32, #tpu.memory_space<vmem>>, vector<16xf32>,
        %mul3A_233 = arith.constant 8 : i32
        %mul3A_234 = arith.muli %mul3A_233, %scan3A_119 : i32
        %add3A_235 = arith.constant 2 : i32
        %add3A_236 = arith.addi %mul3A_234, %add3A_235 : i32
        %mul3A_237 = arith.constant 16 : i32
        %mul3A_238 = arith.muli %mul3A_237, %add3A_236 : i32
        %get3A_239 = arith.constant 0 : i32
        %get3A_240 = arith.index_cast %get3A_239 : i32 to index
        %get3A_241 = arith.index_cast %mul3A_238 : i32 to index
        %get3A_242 = tpu.vector_load %arg5[%get3A_240, %get3A_241] {strides = array<i32>} : memref<8x6144xf32, #tpu.memory_space<vmem>>, vector<1x16xf32>,
        %get3A_243 = vector.shape_cast %get3A_242 : vector<1x16xf32> to vector<16xf32>
        %get3A_244 = arith.constant 1 : i32
        %get3A_245 = arith.index_cast %get3A_244 : i32 to index
        %get3A_246 = arith.index_cast %mul3A_238 : i32 to index
        %get3A_247 = tpu.vector_load %arg5[%get3A_245, %get3A_246] {strides = array<i32>} : memref<8x6144xf32, #tpu.memory_space<vmem>>, vector<1x16xf32>,
        %get3A_248 = vector.shape_cast %get3A_247 : vector<1x16xf32> to vector<16xf32>
        %get3A_249 = arith.constant 2 : i32
        %get3A_250 = arith.index_cast %get3A_249 : i32 to index
        %get3A_251 = arith.index_cast %mul3A_238 : i32 to index
        %get3A_252 = tpu.vector_load %arg5[%get3A_250, %get3A_251] {strides = array<i32>} : memref<8x6144xf32, #tpu.memory_space<vmem>>, vector<1x16xf32>,
        %get3A_253 = vector.shape_cast %get3A_252 : vector<1x16xf32> to vector<16xf32>
        %get3A_254 = arith.constant 3 : i32
        %get3A_255 = arith.index_cast %get3A_254 : i32 to index
        %get3A_256 = arith.index_cast %mul3A_238 : i32 to index
        %get3A_257 = tpu.vector_load %arg5[%get3A_255, %get3A_256] {strides = array<i32>} : memref<8x6144xf32, #tpu.memory_space<vmem>>, vector<1x16xf32>,
        %get3A_258 = vector.shape_cast %get3A_257 : vector<1x16xf32> to vector<16xf32>
        %get3A_259 = arith.constant 4 : i32
        %get3A_260 = arith.index_cast %get3A_259 : i32 to index
        %get3A_261 = arith.index_cast %mul3A_238 : i32 to index
        %get3A_262 = tpu.vector_load %arg5[%get3A_260, %get3A_261] {strides = array<i32>} : memref<8x6144xf32, #tpu.memory_space<vmem>>, vector<1x16xf32>,
        %get3A_263 = vector.shape_cast %get3A_262 : vector<1x16xf32> to vector<16xf32>
        %get3A_264 = arith.constant 5 : i32
        %get3A_265 = arith.index_cast %get3A_264 : i32 to index
        %get3A_266 = arith.index_cast %mul3A_238 : i32 to index
        %get3A_267 = tpu.vector_load %arg5[%get3A_265, %get3A_266] {strides = array<i32>} : memref<8x6144xf32, #tpu.memory_space<vmem>>, vector<1x16xf32>,
        %get3A_268 = vector.shape_cast %get3A_267 : vector<1x16xf32> to vector<16xf32>
        %get3A_269 = arith.constant 6 : i32
        %get3A_270 = arith.index_cast %get3A_269 : i32 to index
        %get3A_271 = arith.index_cast %mul3A_238 : i32 to index
        %get3A_272 = tpu.vector_load %arg5[%get3A_270, %get3A_271] {strides = array<i32>} : memref<8x6144xf32, #tpu.memory_space<vmem>>, vector<1x16xf32>,
        %get3A_273 = vector.shape_cast %get3A_272 : vector<1x16xf32> to vector<16xf32>
        %get3A_274 = arith.constant 7 : i32
        %get3A_275 = arith.index_cast %get3A_274 : i32 to index
        %get3A_276 = arith.index_cast %mul3A_238 : i32 to index
        %get3A_277 = tpu.vector_load %arg5[%get3A_275, %get3A_276] {strides = array<i32>} : memref<8x6144xf32, #tpu.memory_space<vmem>>, vector<1x16xf32>,
        %get3A_278 = vector.shape_cast %get3A_277 : vector<1x16xf32> to vector<16xf32>
        %add3A_279 = arith.addf %get3A_243, %get3A_248 : vector<16xf32>
        %add3A_280 = arith.addf %get3A_253, %get3A_258 : vector<16xf32>
        %add3A_281 = arith.addf %get3A_263, %get3A_268 : vector<16xf32>
        %add3A_282 = arith.addf %get3A_273, %get3A_278 : vector<16xf32>
        %add3A_283 = arith.addf %add3A_279, %add3A_280 : vector<16xf32>
        %add3A_284 = arith.addf %add3A_281, %add3A_282 : vector<16xf32>
        %add3A_285 = arith.addf %add3A_283, %add3A_284 : vector<16xf32>
        %swap3A_286 = arith.index_cast %mul3A_238 : i32 to index
        %swap3A_287 = tpu.vector_load %arg6[%swap3A_286] {strides = array<i32>} : memref<6144xf32, #tpu.memory_space<vmem>>, vector<16xf32>,
        %swap3A_288 = vector.shape_cast %swap3A_287 : vector<16xf32> to vector<16xf32>
        %swap3A_289 = vector.shape_cast %add3A_285 : vector<16xf32> to vector<16xf32>
        tpu.vector_store %arg6[%swap3A_286], %swap3A_289 {add = true, strides = array<i32>} : memref<6144xf32, #tpu.memory_space<vmem>>, vector<16xf32>,
        %mul3A_290 = arith.constant 8 : i32
        %mul3A_291 = arith.muli %mul3A_290, %scan3A_119 : i32
        %add3A_292 = arith.constant 3 : i32
        %add3A_293 = arith.addi %mul3A_291, %add3A_292 : i32
        %mul3A_294 = arith.constant 16 : i32
        %mul3A_295 = arith.muli %mul3A_294, %add3A_293 : i32
        %get3A_296 = arith.constant 0 : i32
        %get3A_297 = arith.index_cast %get3A_296 : i32 to index
        %get3A_298 = arith.index_cast %mul3A_295 : i32 to index
        %get3A_299 = tpu.vector_load %arg5[%get3A_297, %get3A_298] {strides = array<i32>} : memref<8x6144xf32, #tpu.memory_space<vmem>>, vector<1x16xf32>,
        %get3A_300 = vector.shape_cast %get3A_299 : vector<1x16xf32> to vector<16xf32>
        %get3A_301 = arith.constant 1 : i32
        %get3A_302 = arith.index_cast %get3A_301 : i32 to index
        %get3A_303 = arith.index_cast %mul3A_295 : i32 to index
        %get3A_304 = tpu.vector_load %arg5[%get3A_302, %get3A_303] {strides = array<i32>} : memref<8x6144xf32, #tpu.memory_space<vmem>>, vector<1x16xf32>,
        %get3A_305 = vector.shape_cast %get3A_304 : vector<1x16xf32> to vector<16xf32>
        %get3A_306 = arith.constant 2 : i32
        %get3A_307 = arith.index_cast %get3A_306 : i32 to index
        %get3A_308 = arith.index_cast %mul3A_295 : i32 to index
        %get3A_309 = tpu.vector_load %arg5[%get3A_307, %get3A_308] {strides = array<i32>} : memref<8x6144xf32, #tpu.memory_space<vmem>>, vector<1x16xf32>,
        %get3A_310 = vector.shape_cast %get3A_309 : vector<1x16xf32> to vector<16xf32>
        %get3A_311 = arith.constant 3 : i32
        %get3A_312 = arith.index_cast %get3A_311 : i32 to index
        %get3A_313 = arith.index_cast %mul3A_295 : i32 to index
        %get3A_314 = tpu.vector_load %arg5[%get3A_312, %get3A_313] {strides = array<i32>} : memref<8x6144xf32, #tpu.memory_space<vmem>>, vector<1x16xf32>,
        %get3A_315 = vector.shape_cast %get3A_314 : vector<1x16xf32> to vector<16xf32>
        %get3A_316 = arith.constant 4 : i32
        %get3A_317 = arith.index_cast %get3A_316 : i32 to index
        %get3A_318 = arith.index_cast %mul3A_295 : i32 to index
        %get3A_319 = tpu.vector_load %arg5[%get3A_317, %get3A_318] {strides = array<i32>} : memref<8x6144xf32, #tpu.memory_space<vmem>>, vector<1x16xf32>,
        %get3A_320 = vector.shape_cast %get3A_319 : vector<1x16xf32> to vector<16xf32>
        %get3A_321 = arith.constant 5 : i32
        %get3A_322 = arith.index_cast %get3A_321 : i32 to index
        %get3A_323 = arith.index_cast %mul3A_295 : i32 to index
        %get3A_324 = tpu.vector_load %arg5[%get3A_322, %get3A_323] {strides = array<i32>} : memref<8x6144xf32, #tpu.memory_space<vmem>>, vector<1x16xf32>,
        %get3A_325 = vector.shape_cast %get3A_324 : vector<1x16xf32> to vector<16xf32>
        %get3A_326 = arith.constant 6 : i32
        %get3A_327 = arith.index_cast %get3A_326 : i32 to index
        %get3A_328 = arith.index_cast %mul3A_295 : i32 to index
        %get3A_329 = tpu.vector_load %arg5[%get3A_327, %get3A_328] {strides = array<i32>} : memref<8x6144xf32, #tpu.memory_space<vmem>>, vector<1x16xf32>,
        %get3A_330 = vector.shape_cast %get3A_329 : vector<1x16xf32> to vector<16xf32>
        %get3A_331 = arith.constant 7 : i32
        %get3A_332 = arith.index_cast %get3A_331 : i32 to index
        %get3A_333 = arith.index_cast %mul3A_295 : i32 to index
        %get3A_334 = tpu.vector_load %arg5[%get3A_332, %get3A_333] {strides = array<i32>} : memref<8x6144xf32, #tpu.memory_space<vmem>>, vector<1x16xf32>,
        %get3A_335 = vector.shape_cast %get3A_334 : vector<1x16xf32> to vector<16xf32>
        %add3A_336 = arith.addf %get3A_300, %get3A_305 : vector<16xf32>
        %add3A_337 = arith.addf %get3A_310, %get3A_315 : vector<16xf32>
        %add3A_338 = arith.addf %get3A_320, %get3A_325 : vector<16xf32>
        %add3A_339 = arith.addf %get3A_330, %get3A_335 : vector<16xf32>
        %add3A_340 = arith.addf %add3A_336, %add3A_337 : vector<16xf32>
        %add3A_341 = arith.addf %add3A_338, %add3A_339 : vector<16xf32>
        %add3A_342 = arith.addf %add3A_340, %add3A_341 : vector<16xf32>
        %swap3A_343 = arith.index_cast %mul3A_295 : i32 to index
        %swap3A_344 = tpu.vector_load %arg6[%swap3A_343] {strides = array<i32>} : memref<6144xf32, #tpu.memory_space<vmem>>, vector<16xf32>,
        %swap3A_345 = vector.shape_cast %swap3A_344 : vector<16xf32> to vector<16xf32>
        %swap3A_346 = vector.shape_cast %add3A_342 : vector<16xf32> to vector<16xf32>
        tpu.vector_store %arg6[%swap3A_343], %swap3A_346 {add = true, strides = array<i32>} : memref<6144xf32, #tpu.memory_space<vmem>>, vector<16xf32>,
        %mul3A_347 = arith.constant 8 : i32
        %mul3A_348 = arith.muli %mul3A_347, %scan3A_119 : i32
        %add3A_349 = arith.constant 4 : i32
        %add3A_350 = arith.addi %mul3A_348, %add3A_349 : i32
        %mul3A_351 = arith.constant 16 : i32
        %mul3A_352 = arith.muli %mul3A_351, %add3A_350 : i32
        %get3A_353 = arith.constant 0 : i32
        %get3A_354 = arith.index_cast %get3A_353 : i32 to index
        %get3A_355 = arith.index_cast %mul3A_352 : i32 to index
        %get3A_356 = tpu.vector_load %arg5[%get3A_354, %get3A_355] {strides = array<i32>} : memref<8x6144xf32, #tpu.memory_space<vmem>>, vector<1x16xf32>,
        %get3A_357 = vector.shape_cast %get3A_356 : vector<1x16xf32> to vector<16xf32>
        %get3A_358 = arith.constant 1 : i32
        %get3A_359 = arith.index_cast %get3A_358 : i32 to index
        %get3A_360 = arith.index_cast %mul3A_352 : i32 to index
        %get3A_361 = tpu.vector_load %arg5[%get3A_359, %get3A_360] {strides = array<i32>} : memref<8x6144xf32, #tpu.memory_space<vmem>>, vector<1x16xf32>,
        %get3A_362 = vector.shape_cast %get3A_361 : vector<1x16xf32> to vector<16xf32>
        %get3A_363 = arith.constant 2 : i32
        %get3A_364 = arith.index_cast %get3A_363 : i32 to index
        %get3A_365 = arith.index_cast %mul3A_352 : i32 to index
        %get3A_366 = tpu.vector_load %arg5[%get3A_364, %get3A_365] {strides = array<i32>} : memref<8x6144xf32, #tpu.memory_space<vmem>>, vector<1x16xf32>,
        %get3A_367 = vector.shape_cast %get3A_366 : vector<1x16xf32> to vector<16xf32>
        %get3A_368 = arith.constant 3 : i32
        %get3A_369 = arith.index_cast %get3A_368 : i32 to index
        %get3A_370 = arith.index_cast %mul3A_352 : i32 to index
        %get3A_371 = tpu.vector_load %arg5[%get3A_369, %get3A_370] {strides = array<i32>} : memref<8x6144xf32, #tpu.memory_space<vmem>>, vector<1x16xf32>,
        %get3A_372 = vector.shape_cast %get3A_371 : vector<1x16xf32> to vector<16xf32>
        %get3A_373 = arith.constant 4 : i32
        %get3A_374 = arith.index_cast %get3A_373 : i32 to index
        %get3A_375 = arith.index_cast %mul3A_352 : i32 to index
        %get3A_376 = tpu.vector_load %arg5[%get3A_374, %get3A_375] {strides = array<i32>} : memref<8x6144xf32, #tpu.memory_space<vmem>>, vector<1x16xf32>,
        %get3A_377 = vector.shape_cast %get3A_376 : vector<1x16xf32> to vector<16xf32>
        %get3A_378 = arith.constant 5 : i32
        %get3A_379 = arith.index_cast %get3A_378 : i32 to index
        %get3A_380 = arith.index_cast %mul3A_352 : i32 to index
        %get3A_381 = tpu.vector_load %arg5[%get3A_379, %get3A_380] {strides = array<i32>} : memref<8x6144xf32, #tpu.memory_space<vmem>>, vector<1x16xf32>,
        %get3A_382 = vector.shape_cast %get3A_381 : vector<1x16xf32> to vector<16xf32>
        %get3A_383 = arith.constant 6 : i32
        %get3A_384 = arith.index_cast %get3A_383 : i32 to index
        %get3A_385 = arith.index_cast %mul3A_352 : i32 to index
        %get3A_386 = tpu.vector_load %arg5[%get3A_384, %get3A_385] {strides = array<i32>} : memref<8x6144xf32, #tpu.memory_space<vmem>>, vector<1x16xf32>,
        %get3A_387 = vector.shape_cast %get3A_386 : vector<1x16xf32> to vector<16xf32>
        %get3A_388 = arith.constant 7 : i32
        %get3A_389 = arith.index_cast %get3A_388 : i32 to index
        %get3A_390 = arith.index_cast %mul3A_352 : i32 to index
        %get3A_391 = tpu.vector_load %arg5[%get3A_389, %get3A_390] {strides = array<i32>} : memref<8x6144xf32, #tpu.memory_space<vmem>>, vector<1x16xf32>,
        %get3A_392 = vector.shape_cast %get3A_391 : vector<1x16xf32> to vector<16xf32>
        %add3A_393 = arith.addf %get3A_357, %get3A_362 : vector<16xf32>
        %add3A_394 = arith.addf %get3A_367, %get3A_372 : vector<16xf32>
        %add3A_395 = arith.addf %get3A_377, %get3A_382 : vector<16xf32>
        %add3A_396 = arith.addf %get3A_387, %get3A_392 : vector<16xf32>
        %add3A_397 = arith.addf %add3A_393, %add3A_394 : vector<16xf32>
        %add3A_398 = arith.addf %add3A_395, %add3A_396 : vector<16xf32>
        %add3A_399 = arith.addf %add3A_397, %add3A_398 : vector<16xf32>
        %swap3A_400 = arith.index_cast %mul3A_352 : i32 to index
        %swap3A_401 = tpu.vector_load %arg6[%swap3A_400] {strides = array<i32>} : memref<6144xf32, #tpu.memory_space<vmem>>, vector<16xf32>,
        %swap3A_402 = vector.shape_cast %swap3A_401 : vector<16xf32> to vector<16xf32>
        %swap3A_403 = vector.shape_cast %add3A_399 : vector<16xf32> to vector<16xf32>
        tpu.vector_store %arg6[%swap3A_400], %swap3A_403 {add = true, strides = array<i32>} : memref<6144xf32, #tpu.memory_space<vmem>>, vector<16xf32>,
        %mul3A_404 = arith.constant 8 : i32
        %mul3A_405 = arith.muli %mul3A_404, %scan3A_119 : i32
        %add3A_406 = arith.constant 5 : i32
        %add3A_407 = arith.addi %mul3A_405, %add3A_406 : i32
        %mul3A_408 = arith.constant 16 : i32
        %mul3A_409 = arith.muli %mul3A_408, %add3A_407 : i32
        %get3A_410 = arith.constant 0 : i32
        %get3A_411 = arith.index_cast %get3A_410 : i32 to index
        %get3A_412 = arith.index_cast %mul3A_409 : i32 to index
        %get3A_413 = tpu.vector_load %arg5[%get3A_411, %get3A_412] {strides = array<i32>} : memref<8x6144xf32, #tpu.memory_space<vmem>>, vector<1x16xf32>,
        %get3A_414 = vector.shape_cast %get3A_413 : vector<1x16xf32> to vector<16xf32>
        %get3A_415 = arith.constant 1 : i32
        %get3A_416 = arith.index_cast %get3A_415 : i32 to index
        %get3A_417 = arith.index_cast %mul3A_409 : i32 to index
        %get3A_418 = tpu.vector_load %arg5[%get3A_416, %get3A_417] {strides = array<i32>} : memref<8x6144xf32, #tpu.memory_space<vmem>>, vector<1x16xf32>,
        %get3A_419 = vector.shape_cast %get3A_418 : vector<1x16xf32> to vector<16xf32>
        %get3A_420 = arith.constant 2 : i32
        %get3A_421 = arith.index_cast %get3A_420 : i32 to index
        %get3A_422 = arith.index_cast %mul3A_409 : i32 to index
        %get3A_423 = tpu.vector_load %arg5[%get3A_421, %get3A_422] {strides = array<i32>} : memref<8x6144xf32, #tpu.memory_space<vmem>>, vector<1x16xf32>,
        %get3A_424 = vector.shape_cast %get3A_423 : vector<1x16xf32> to vector<16xf32>
        %get3A_425 = arith.constant 3 : i32
        %get3A_426 = arith.index_cast %get3A_425 : i32 to index
        %get3A_427 = arith.index_cast %mul3A_409 : i32 to index
        %get3A_428 = tpu.vector_load %arg5[%get3A_426, %get3A_427] {strides = array<i32>} : memref<8x6144xf32, #tpu.memory_space<vmem>>, vector<1x16xf32>,
        %get3A_429 = vector.shape_cast %get3A_428 : vector<1x16xf32> to vector<16xf32>
        %get3A_430 = arith.constant 4 : i32
        %get3A_431 = arith.index_cast %get3A_430 : i32 to index
        %get3A_432 = arith.index_cast %mul3A_409 : i32 to index
        %get3A_433 = tpu.vector_load %arg5[%get3A_431, %get3A_432] {strides = array<i32>} : memref<8x6144xf32, #tpu.memory_space<vmem>>, vector<1x16xf32>,
        %get3A_434 = vector.shape_cast %get3A_433 : vector<1x16xf32> to vector<16xf32>
        %get3A_435 = arith.constant 5 : i32
        %get3A_436 = arith.index_cast %get3A_435 : i32 to index
        %get3A_437 = arith.index_cast %mul3A_409 : i32 to index
        %get3A_438 = tpu.vector_load %arg5[%get3A_436, %get3A_437] {strides = array<i32>} : memref<8x6144xf32, #tpu.memory_space<vmem>>, vector<1x16xf32>,
        %get3A_439 = vector.shape_cast %get3A_438 : vector<1x16xf32> to vector<16xf32>
        %get3A_440 = arith.constant 6 : i32
        %get3A_441 = arith.index_cast %get3A_440 : i32 to index
        %get3A_442 = arith.index_cast %mul3A_409 : i32 to index
        %get3A_443 = tpu.vector_load %arg5[%get3A_441, %get3A_442] {strides = array<i32>} : memref<8x6144xf32, #tpu.memory_space<vmem>>, vector<1x16xf32>,
        %get3A_444 = vector.shape_cast %get3A_443 : vector<1x16xf32> to vector<16xf32>
        %get3A_445 = arith.constant 7 : i32
        %get3A_446 = arith.index_cast %get3A_445 : i32 to index
        %get3A_447 = arith.index_cast %mul3A_409 : i32 to index
        %get3A_448 = tpu.vector_load %arg5[%get3A_446, %get3A_447] {strides = array<i32>} : memref<8x6144xf32, #tpu.memory_space<vmem>>, vector<1x16xf32>,
        %get3A_449 = vector.shape_cast %get3A_448 : vector<1x16xf32> to vector<16xf32>
        %add3A_450 = arith.addf %get3A_414, %get3A_419 : vector<16xf32>
        %add3A_451 = arith.addf %get3A_424, %get3A_429 : vector<16xf32>
        %add3A_452 = arith.addf %get3A_434, %get3A_439 : vector<16xf32>
        %add3A_453 = arith.addf %get3A_444, %get3A_449 : vector<16xf32>
        %add3A_454 = arith.addf %add3A_450, %add3A_451 : vector<16xf32>
        %add3A_455 = arith.addf %add3A_452, %add3A_453 : vector<16xf32>
        %add3A_456 = arith.addf %add3A_454, %add3A_455 : vector<16xf32>
        %swap3A_457 = arith.index_cast %mul3A_409 : i32 to index
        %swap3A_458 = tpu.vector_load %arg6[%swap3A_457] {strides = array<i32>} : memref<6144xf32, #tpu.memory_space<vmem>>, vector<16xf32>,
        %swap3A_459 = vector.shape_cast %swap3A_458 : vector<16xf32> to vector<16xf32>
        %swap3A_460 = vector.shape_cast %add3A_456 : vector<16xf32> to vector<16xf32>
        tpu.vector_store %arg6[%swap3A_457], %swap3A_460 {add = true, strides = array<i32>} : memref<6144xf32, #tpu.memory_space<vmem>>, vector<16xf32>,
        %mul3A_461 = arith.constant 8 : i32
        %mul3A_462 = arith.muli %mul3A_461, %scan3A_119 : i32
        %add3A_463 = arith.constant 6 : i32
        %add3A_464 = arith.addi %mul3A_462, %add3A_463 : i32
        %mul3A_465 = arith.constant 16 : i32
        %mul3A_466 = arith.muli %mul3A_465, %add3A_464 : i32
        %get3A_467 = arith.constant 0 : i32
        %get3A_468 = arith.index_cast %get3A_467 : i32 to index
        %get3A_469 = arith.index_cast %mul3A_466 : i32 to index
        %get3A_470 = tpu.vector_load %arg5[%get3A_468, %get3A_469] {strides = array<i32>} : memref<8x6144xf32, #tpu.memory_space<vmem>>, vector<1x16xf32>,
        %get3A_471 = vector.shape_cast %get3A_470 : vector<1x16xf32> to vector<16xf32>
        %get3A_472 = arith.constant 1 : i32
        %get3A_473 = arith.index_cast %get3A_472 : i32 to index
        %get3A_474 = arith.index_cast %mul3A_466 : i32 to index
        %get3A_475 = tpu.vector_load %arg5[%get3A_473, %get3A_474] {strides = array<i32>} : memref<8x6144xf32, #tpu.memory_space<vmem>>, vector<1x16xf32>,
        %get3A_476 = vector.shape_cast %get3A_475 : vector<1x16xf32> to vector<16xf32>
        %get3A_477 = arith.constant 2 : i32
        %get3A_478 = arith.index_cast %get3A_477 : i32 to index
        %get3A_479 = arith.index_cast %mul3A_466 : i32 to index
        %get3A_480 = tpu.vector_load %arg5[%get3A_478, %get3A_479] {strides = array<i32>} : memref<8x6144xf32, #tpu.memory_space<vmem>>, vector<1x16xf32>,
        %get3A_481 = vector.shape_cast %get3A_480 : vector<1x16xf32> to vector<16xf32>
        %get3A_482 = arith.constant 3 : i32
        %get3A_483 = arith.index_cast %get3A_482 : i32 to index
        %get3A_484 = arith.index_cast %mul3A_466 : i32 to index
        %get3A_485 = tpu.vector_load %arg5[%get3A_483, %get3A_484] {strides = array<i32>} : memref<8x6144xf32, #tpu.memory_space<vmem>>, vector<1x16xf32>,
        %get3A_486 = vector.shape_cast %get3A_485 : vector<1x16xf32> to vector<16xf32>
        %get3A_487 = arith.constant 4 : i32
        %get3A_488 = arith.index_cast %get3A_487 : i32 to index
        %get3A_489 = arith.index_cast %mul3A_466 : i32 to index
        %get3A_490 = tpu.vector_load %arg5[%get3A_488, %get3A_489] {strides = array<i32>} : memref<8x6144xf32, #tpu.memory_space<vmem>>, vector<1x16xf32>,
        %get3A_491 = vector.shape_cast %get3A_490 : vector<1x16xf32> to vector<16xf32>
        %get3A_492 = arith.constant 5 : i32
        %get3A_493 = arith.index_cast %get3A_492 : i32 to index
        %get3A_494 = arith.index_cast %mul3A_466 : i32 to index
        %get3A_495 = tpu.vector_load %arg5[%get3A_493, %get3A_494] {strides = array<i32>} : memref<8x6144xf32, #tpu.memory_space<vmem>>, vector<1x16xf32>,
        %get3A_496 = vector.shape_cast %get3A_495 : vector<1x16xf32> to vector<16xf32>
        %get3A_497 = arith.constant 6 : i32
        %get3A_498 = arith.index_cast %get3A_497 : i32 to index
        %get3A_499 = arith.index_cast %mul3A_466 : i32 to index
        %get3A_500 = tpu.vector_load %arg5[%get3A_498, %get3A_499] {strides = array<i32>} : memref<8x6144xf32, #tpu.memory_space<vmem>>, vector<1x16xf32>,
        %get3A_501 = vector.shape_cast %get3A_500 : vector<1x16xf32> to vector<16xf32>
        %get3A_502 = arith.constant 7 : i32
        %get3A_503 = arith.index_cast %get3A_502 : i32 to index
        %get3A_504 = arith.index_cast %mul3A_466 : i32 to index
        %get3A_505 = tpu.vector_load %arg5[%get3A_503, %get3A_504] {strides = array<i32>} : memref<8x6144xf32, #tpu.memory_space<vmem>>, vector<1x16xf32>,
        %get3A_506 = vector.shape_cast %get3A_505 : vector<1x16xf32> to vector<16xf32>
        %add3A_507 = arith.addf %get3A_471, %get3A_476 : vector<16xf32>
        %add3A_508 = arith.addf %get3A_481, %get3A_486 : vector<16xf32>
        %add3A_509 = arith.addf %get3A_491, %get3A_496 : vector<16xf32>
        %add3A_510 = arith.addf %get3A_501, %get3A_506 : vector<16xf32>
        %add3A_511 = arith.addf %add3A_507, %add3A_508 : vector<16xf32>
        %add3A_512 = arith.addf %add3A_509, %add3A_510 : vector<16xf32>
        %add3A_513 = arith.addf %add3A_511, %add3A_512 : vector<16xf32>
        %swap3A_514 = arith.index_cast %mul3A_466 : i32 to index
        %swap3A_515 = tpu.vector_load %arg6[%swap3A_514] {strides = array<i32>} : memref<6144xf32, #tpu.memory_space<vmem>>, vector<16xf32>,
        %swap3A_516 = vector.shape_cast %swap3A_515 : vector<16xf32> to vector<16xf32>
        %swap3A_517 = vector.shape_cast %add3A_513 : vector<16xf32> to vector<16xf32>
        tpu.vector_store %arg6[%swap3A_514], %swap3A_517 {add = true, strides = array<i32>} : memref<6144xf32, #tpu.memory_space<vmem>>, vector<16xf32>,
        %mul3A_518 = arith.constant 8 : i32
        %mul3A_519 = arith.muli %mul3A_518, %scan3A_119 : i32
        %add3A_520 = arith.constant 7 : i32
        %add3A_521 = arith.addi %mul3A_519, %add3A_520 : i32
        %mul3A_522 = arith.constant 16 : i32
        %mul3A_523 = arith.muli %mul3A_522, %add3A_521 : i32
        %get3A_524 = arith.constant 0 : i32
        %get3A_525 = arith.index_cast %get3A_524 : i32 to index
        %get3A_526 = arith.index_cast %mul3A_523 : i32 to index
        %get3A_527 = tpu.vector_load %arg5[%get3A_525, %get3A_526] {strides = array<i32>} : memref<8x6144xf32, #tpu.memory_space<vmem>>, vector<1x16xf32>,
        %get3A_528 = vector.shape_cast %get3A_527 : vector<1x16xf32> to vector<16xf32>
        %get3A_529 = arith.constant 1 : i32
        %get3A_530 = arith.index_cast %get3A_529 : i32 to index
        %get3A_531 = arith.index_cast %mul3A_523 : i32 to index
        %get3A_532 = tpu.vector_load %arg5[%get3A_530, %get3A_531] {strides = array<i32>} : memref<8x6144xf32, #tpu.memory_space<vmem>>, vector<1x16xf32>,
        %get3A_533 = vector.shape_cast %get3A_532 : vector<1x16xf32> to vector<16xf32>
        %get3A_534 = arith.constant 2 : i32
        %get3A_535 = arith.index_cast %get3A_534 : i32 to index
        %get3A_536 = arith.index_cast %mul3A_523 : i32 to index
        %get3A_537 = tpu.vector_load %arg5[%get3A_535, %get3A_536] {strides = array<i32>} : memref<8x6144xf32, #tpu.memory_space<vmem>>, vector<1x16xf32>,
        %get3A_538 = vector.shape_cast %get3A_537 : vector<1x16xf32> to vector<16xf32>
        %get3A_539 = arith.constant 3 : i32
        %get3A_540 = arith.index_cast %get3A_539 : i32 to index
        %get3A_541 = arith.index_cast %mul3A_523 : i32 to index
        %get3A_542 = tpu.vector_load %arg5[%get3A_540, %get3A_541] {strides = array<i32>} : memref<8x6144xf32, #tpu.memory_space<vmem>>, vector<1x16xf32>,
        %get3A_543 = vector.shape_cast %get3A_542 : vector<1x16xf32> to vector<16xf32>
        %get3A_544 = arith.constant 4 : i32
        %get3A_545 = arith.index_cast %get3A_544 : i32 to index
        %get3A_546 = arith.index_cast %mul3A_523 : i32 to index
        %get3A_547 = tpu.vector_load %arg5[%get3A_545, %get3A_546] {strides = array<i32>} : memref<8x6144xf32, #tpu.memory_space<vmem>>, vector<1x16xf32>,
        %get3A_548 = vector.shape_cast %get3A_547 : vector<1x16xf32> to vector<16xf32>
        %get3A_549 = arith.constant 5 : i32
        %get3A_550 = arith.index_cast %get3A_549 : i32 to index
        %get3A_551 = arith.index_cast %mul3A_523 : i32 to index
        %get3A_552 = tpu.vector_load %arg5[%get3A_550, %get3A_551] {strides = array<i32>} : memref<8x6144xf32, #tpu.memory_space<vmem>>, vector<1x16xf32>,
        %get3A_553 = vector.shape_cast %get3A_552 : vector<1x16xf32> to vector<16xf32>
        %get3A_554 = arith.constant 6 : i32
        %get3A_555 = arith.index_cast %get3A_554 : i32 to index
        %get3A_556 = arith.index_cast %mul3A_523 : i32 to index
        %get3A_557 = tpu.vector_load %arg5[%get3A_555, %get3A_556] {strides = array<i32>} : memref<8x6144xf32, #tpu.memory_space<vmem>>, vector<1x16xf32>,
        %get3A_558 = vector.shape_cast %get3A_557 : vector<1x16xf32> to vector<16xf32>
        %get3A_559 = arith.constant 7 : i32
        %get3A_560 = arith.index_cast %get3A_559 : i32 to index
        %get3A_561 = arith.index_cast %mul3A_523 : i32 to index
        %get3A_562 = tpu.vector_load %arg5[%get3A_560, %get3A_561] {strides = array<i32>} : memref<8x6144xf32, #tpu.memory_space<vmem>>, vector<1x16xf32>,
        %get3A_563 = vector.shape_cast %get3A_562 : vector<1x16xf32> to vector<16xf32>
        %add3A_564 = arith.addf %get3A_528, %get3A_533 : vector<16xf32>
        %add3A_565 = arith.addf %get3A_538, %get3A_543 : vector<16xf32>
        %add3A_566 = arith.addf %get3A_548, %get3A_553 : vector<16xf32>
        %add3A_567 = arith.addf %get3A_558, %get3A_563 : vector<16xf32>
        %add3A_568 = arith.addf %add3A_564, %add3A_565 : vector<16xf32>
        %add3A_569 = arith.addf %add3A_566, %add3A_567 : vector<16xf32>
        %add3A_570 = arith.addf %add3A_568, %add3A_569 : vector<16xf32>
        %swap3A_571 = arith.index_cast %mul3A_523 : i32 to index
        %swap3A_572 = tpu.vector_load %arg6[%swap3A_571] {strides = array<i32>} : memref<6144xf32, #tpu.memory_space<vmem>>, vector<16xf32>,
        %swap3A_573 = vector.shape_cast %swap3A_572 : vector<16xf32> to vector<16xf32>
        %swap3A_574 = vector.shape_cast %add3A_570 : vector<16xf32> to vector<16xf32>
        tpu.vector_store %arg6[%swap3A_571], %swap3A_574 {add = true, strides = array<i32>} : memref<6144xf32, #tpu.memory_space<vmem>>, vector<16xf32>,
        %scan3A_575 = arith.constant 0 : i32
        scf.yield %scan3A_575 : i32
      }
      %scan3A_108 = arith.constant 48 : i32
      %mul3A_109 = arith.constant 2 : i32
      %mul3A_110 = arith.muli %mul3A_109, %scan3A_63 : i32
      %add3A_111 = arith.constant 3 : i32
      %add3A_112 = arith.addi %mul3A_110, %add3A_111 : i32
      %lt3A_113 = arith.constant 16 : i32
      %lt3A_114 = arith.cmpi slt, %add3A_112, %lt3A_113 : i32
      %convert_element_type3A_115 = arith.extui %lt3A_114 : i1 to i32
      %cond3A_116 = arith.constant 0 : i32
      %cond3A_117 = arith.cmpi ne, %convert_element_type3A_115, %cond3A_116 : i32
      scf.if %cond3A_117 {
        %mul3A_119 = arith.constant 2 : i32
        %mul3A_120 = arith.muli %mul3A_119, %scan3A_63 : i32
        %add3A_121 = arith.constant 3 : i32
        %add3A_122 = arith.addi %mul3A_120, %add3A_121 : i32
        %mul3A_123 = arith.constant 8 : i32
        %mul3A_124 = arith.muli %add3A_122, %mul3A_123 : i32
        %add3A_125 = arith.addi %add3A_34, %mul3A_124 : i32
        %dma_start3A_126 = arith.constant 0 : i32
        %dma_start3A_127 = tpu.memref_slice %arg2[%select_n3A, %add3A_125, %dma_start3A_126] : memref<4x4096x6144xf32, #tpu.memory_space<hbm>> -> memref<1x8x6144xf32, #tpu.memory_space<hbm>>
        %dma_start3A_128 = tpu.memref_squeeze %dma_start3A_127 : memref<1x8x6144xf32, #tpu.memory_space<hbm>> -> memref<8x6144xf32, #tpu.memory_space<hbm>>
        %dma_start3A_129 = arith.constant 0 : i32
        %dma_start3A_130 = tpu.memref_slice %arg2[%select_n3A, %add3A_125, %dma_start3A_129] : memref<4x4096x6144xf32, #tpu.memory_space<hbm>> -> memref<1x8x6144xf32, #tpu.memory_space<hbm>>
        %dma_start3A_131 = tpu.memref_squeeze %dma_start3A_130 : memref<1x8x6144xf32, #tpu.memory_space<hbm>> -> memref<8x6144xf32, #tpu.memory_space<hbm>>
        tpu.enqueue_dma source(%dma_start3A_131 : memref<8x6144xf32, #tpu.memory_space<hbm>>) target(%arg5 : memref<8x6144xf32, #tpu.memory_space<vmem>>) target_semaphore(%arg8 : memref<!tpu.dma_semaphore, #tpu.memory_space<semaphore_mem>>)
      } else {
      }
      %scan3A_118 = arith.constant 0 : i32
      scf.yield %scan3A_118 : i32
    }
    %scan3A_62 = arith.constant 8 : i32
    "tpu.region"() ({
      %run_scoped3A = tpu.sem_alloc : memref<!tpu.dma_semaphore, #tpu.memory_space<semaphore_mem>>
      %dma_start3A_63 = arith.constant 0 : i32
      %dma_start3A_64 = tpu.memref_slice %arg3[%add3A, %dma_start3A_63] : memref<32x6144xf32, #tpu.memory_space<hbm>> -> memref<1x6144xf32, #tpu.memory_space<hbm>>
      %dma_start3A_65 = tpu.memref_squeeze %dma_start3A_64 : memref<1x6144xf32, #tpu.memory_space<hbm>> -> memref<6144xf32, #tpu.memory_space<hbm>>
      %dma_start3A_66 = arith.constant 0 : i32
      %dma_start3A_67 = tpu.memref_slice %arg3[%add3A, %dma_start3A_66] : memref<32x6144xf32, #tpu.memory_space<hbm>> -> memref<1x6144xf32, #tpu.memory_space<hbm>>
      %dma_start3A_68 = tpu.memref_squeeze %dma_start3A_67 : memref<1x6144xf32, #tpu.memory_space<hbm>> -> memref<6144xf32, #tpu.memory_space<hbm>>
      tpu.enqueue_dma source(%arg6 : memref<6144xf32, #tpu.memory_space<vmem>>) target(%dma_start3A_68 : memref<6144xf32, #tpu.memory_space<hbm>>) target_semaphore(%run_scoped3A : memref<!tpu.dma_semaphore, #tpu.memory_space<semaphore_mem>>)
      %dma_wait3A = arith.constant 0 : i32
      %dma_wait3A_69 = tpu.memref_slice %arg3[%add3A, %dma_wait3A] : memref<32x6144xf32, #tpu.memory_space<hbm>> -> memref<1x6144xf32, #tpu.memory_space<hbm>>
      %dma_wait3A_70 = tpu.memref_squeeze %dma_wait3A_69 : memref<1x6144xf32, #tpu.memory_space<hbm>> -> memref<6144xf32, #tpu.memory_space<hbm>>
      %dma_wait3A_71 = arith.constant 0 : i32
      %dma_wait3A_72 = tpu.memref_slice %arg3[%add3A, %dma_wait3A_71] : memref<32x6144xf32, #tpu.memory_space<hbm>> -> memref<1x6144xf32, #tpu.memory_space<hbm>>
      %dma_wait3A_73 = tpu.memref_squeeze %dma_wait3A_72 : memref<1x6144xf32, #tpu.memory_space<hbm>> -> memref<6144xf32, #tpu.memory_space<hbm>>
      tpu.wait_dma2 semaphore(%run_scoped3A : memref<!tpu.dma_semaphore, #tpu.memory_space<semaphore_mem>>) src(%arg6 : memref<6144xf32, #tpu.memory_space<vmem>>) dst(%dma_wait3A_73 : memref<6144xf32, #tpu.memory_space<hbm>>)
      tpu.yield
    }) : () -> ()
    return
  }
}

module attributes {stable_mosaic.version = 14 : i64} {
  func.func @_tc_sum_kernel(%arg0: i32, %arg1: i32, %arg2: memref<1x512x6144xf32, #tpu.memory_space<vmem>>, %arg3: memref<1x8x6144xf32, #tpu.memory_space<vmem>>) attributes {dimension_semantics = [#tpu.dimension_semantics<arbitrary>, #tpu.dimension_semantics<arbitrary>], iteration_bounds = array<i64: 4, 6>, scalar_prefetch = 0 : i64, scratch_operands = 0 : i64, tpu.core_type = #tpu.core_type<tc>, window_params = [{transform_indices = @transform_0, window_bounds = array<i64: 1, 512, 6144>}, {transform_indices = @transform_1, window_bounds = array<i64: 1, 8, 6144>}]} {
    %get3A = arith.constant 0 : index
    %get3A_0 = arith.constant 0 : index
    %get3A_1 = arith.constant 0 : index
    %get3A_2 = vector.load %arg2[%get3A, %get3A_0, %get3A_1] : memref<1x512x6144xf32, #tpu.memory_space<vmem>>, vector<1x512x6144xf32>
    %get3A_3 = vector.shape_cast %get3A_2 : vector<1x512x6144xf32> to vector<512x6144xf32>
    %reshape3A = vector.shape_cast %get3A_3 : vector<512x6144xf32> to vector<64x8x6144xf32>
    %reduce_sum3A = arith.constant dense<0.000000e+00> : vector<8x6144xf32>
    %reduce_sum3A_4 = vector.multi_reduction <add>, %reshape3A, %reduce_sum3A [0] : vector<64x8x6144xf32> to vector<8x6144xf32>
    %eq3A = arith.constant 0 : i32
    %eq3A_5 = arith.cmpi eq, %arg1, %eq3A : i32
    %convert_element_type3A = arith.extui %eq3A_5 : i1 to i32
    %cond3A = arith.constant 0 : i32
    %cond3A_6 = arith.cmpi ne, %convert_element_type3A, %cond3A : i32
    scf.if %cond3A_6 {
      %swap3A = arith.constant 0 : index
      %swap3A_11 = arith.constant 0 : index
      %swap3A_12 = arith.constant 0 : index
      %swap3A_13 = vector.load %arg3[%swap3A, %swap3A_11, %swap3A_12] : memref<1x8x6144xf32, #tpu.memory_space<vmem>>, vector<1x8x6144xf32>
      %swap3A_14 = vector.shape_cast %swap3A_13 : vector<1x8x6144xf32> to vector<8x6144xf32>
      %swap3A_15 = vector.shape_cast %reduce_sum3A_4 : vector<8x6144xf32> to vector<1x8x6144xf32>
      tpu.vector_store %arg3[%swap3A, %swap3A_11, %swap3A_12], %swap3A_15 {strides = array<i32>} : memref<1x8x6144xf32, #tpu.memory_space<vmem>>, vector<1x8x6144xf32>,
    } else {
    }
    %ne3A = arith.constant 0 : i32
    %ne3A_7 = arith.cmpi ne, %arg1, %ne3A : i32
    %convert_element_type3A_8 = arith.extui %ne3A_7 : i1 to i32
    %cond3A_9 = arith.constant 0 : i32
    %cond3A_10 = arith.cmpi ne, %convert_element_type3A_8, %cond3A_9 : i32
    scf.if %cond3A_10 {
      %get3A_11 = arith.constant 0 : index
      %get3A_12 = arith.constant 0 : index
      %get3A_13 = arith.constant 0 : index
      %get3A_14 = vector.load %arg3[%get3A_11, %get3A_12, %get3A_13] : memref<1x8x6144xf32, #tpu.memory_space<vmem>>, vector<1x8x6144xf32>
      %get3A_15 = vector.shape_cast %get3A_14 : vector<1x8x6144xf32> to vector<8x6144xf32>
      %add3A = arith.addf %get3A_15, %reduce_sum3A_4 : vector<8x6144xf32>
      %swap3A = arith.constant 0 : index
      %swap3A_16 = arith.constant 0 : index
      %swap3A_17 = arith.constant 0 : index
      %swap3A_18 = vector.load %arg3[%swap3A, %swap3A_16, %swap3A_17] : memref<1x8x6144xf32, #tpu.memory_space<vmem>>, vector<1x8x6144xf32>
      %swap3A_19 = vector.shape_cast %swap3A_18 : vector<1x8x6144xf32> to vector<8x6144xf32>
      %swap3A_20 = vector.shape_cast %add3A : vector<8x6144xf32> to vector<1x8x6144xf32>
      tpu.vector_store %arg3[%swap3A, %swap3A_16, %swap3A_17], %swap3A_20 {strides = array<i32>} : memref<1x8x6144xf32, #tpu.memory_space<vmem>>, vector<1x8x6144xf32>,
    } else {
    }
    return
  }
  func.func @transform_0(%arg0: i32, %arg1: i32) -> (i32, i32, i32) {
    %c0_i32 = arith.constant 0 : i32
    %c0_i32_0 = arith.constant 0 : i32
    return %arg0, %arg1, %c0_i32 : i32, i32, i32
  }
  func.func @transform_1(%arg0: i32, %arg1: i32) -> (i32, i32, i32) {
    %c0_i32 = arith.constant 0 : i32
    %c0_i32_0 = arith.constant 0 : i32
    %c0_i32_1 = arith.constant 0 : i32
    return %arg0, %c0_i32, %c0_i32_0 : i32, i32, i32
  }
}

module attributes {stable_mosaic.version = 14 : i64} {
  func.func @_tail_kernel(%arg0: memref<4x8x6144xf32, #tpu.memory_space<vmem>>, %arg1: memref<32x6144xf32, #tpu.memory_space<vmem>>, %arg2: memref<80x6144xf32, #tpu.memory_space<vmem>>, %arg3: memref<1x80xf32, #tpu.memory_space<vmem>>, %arg4: memref<256x6144xf32, #tpu.memory_space<vmem>>, %arg5: memref<1x256xf32, #tpu.memory_space<vmem>>, %arg6: memref<80x256xf32, #tpu.memory_space<vmem>>, %arg7: memref<1x80xf32, #tpu.memory_space<vmem>>, %arg8: memref<1x1xf32, #tpu.memory_space<vmem>>, %arg9: memref<4x8xf32, #tpu.memory_space<vmem>>, %arg10: memref<4x8xi32, #tpu.memory_space<vmem>>, %arg11: memref<1x80xf32, #tpu.memory_space<vmem>>, %arg12: memref<1x1xf32, #tpu.memory_space<vmem>>) attributes {dimension_semantics = [], scalar_prefetch = 0 : i64, scratch_operands = 0 : i64, tpu.core_type = #tpu.core_type<tc>} {
    %get3A = arith.constant 0 : index
    %get3A_0 = arith.constant 0 : index
    %get3A_1 = vector.load %arg1[%get3A, %get3A_0] : memref<32x6144xf32, #tpu.memory_space<vmem>>, vector<32x6144xf32>
    %reshape3A = vector.shape_cast %get3A_1 : vector<32x6144xf32> to vector<4x8x6144xf32>
    %reduce_sum3A = arith.constant dense<0.000000e+00> : vector<4x6144xf32>
    %reduce_sum3A_2 = vector.multi_reduction <add>, %reshape3A, %reduce_sum3A [1] : vector<4x8x6144xf32> to vector<4x6144xf32>
    %get3A_3 = arith.constant 0 : index
    %get3A_4 = arith.constant 0 : index
    %get3A_5 = arith.constant 0 : index
    %get3A_6 = vector.load %arg0[%get3A_3, %get3A_4, %get3A_5] : memref<4x8x6144xf32, #tpu.memory_space<vmem>>, vector<4x8x6144xf32>
    %reduce_sum3A_7 = arith.constant dense<0.000000e+00> : vector<4x6144xf32>
    %reduce_sum3A_8 = vector.multi_reduction <add>, %get3A_6, %reduce_sum3A_7 [1] : vector<4x8x6144xf32> to vector<4x6144xf32>
    %add3A = arith.addf %reduce_sum3A_8, %reduce_sum3A_2 : vector<4x6144xf32>
    %mul3A = arith.constant 2.44140625E-4 : f32
    %mul3A_9 = vector.broadcast %mul3A : f32 to vector<4x6144xf32>
    %mul3A_10 = arith.mulf %add3A, %mul3A_9 : vector<4x6144xf32>
    %get3A_11 = arith.constant 0 : index
    %get3A_12 = arith.constant 0 : index
    %get3A_13 = vector.load %arg4[%get3A_11, %get3A_12] : memref<256x6144xf32, #tpu.memory_space<vmem>>, vector<256x6144xf32>
    %dot_general3A = arith.constant dense<0.000000e+00> : vector<4x256xf32>
    %dot_general3A_14 = tpu.matmul %mul3A_10, %get3A_13, %dot_general3A {dimension_numbers = #tpu.dot_dimension_numbers<[1], [1], [0], [0], [0, 0, 1, 0], [], []>, transpose_lhs_hint = false} : vector<4x6144xf32>, vector<256x6144xf32>, vector<4x256xf32> -> vector<4x256xf32>
    %get3A_15 = arith.constant 0 : index
    %get3A_16 = arith.constant 0 : index
    %get3A_17 = vector.load %arg5[%get3A_15, %get3A_16] : memref<1x256xf32, #tpu.memory_space<vmem>>, vector<1x256xf32>
    %add3A_18 = vector.broadcast %get3A_17 : vector<1x256xf32> to vector<4x256xf32>
    %add3A_19 = arith.addf %dot_general3A_14, %add3A_18 : vector<4x256xf32>
    %max3A = arith.constant 0.000000e+00 : f32
    %max3A_20 = vector.broadcast %max3A : f32 to vector<4x256xf32>
    %max3A_21 = arith.maximumf %add3A_19, %max3A_20 : vector<4x256xf32>
    %get3A_22 = arith.constant 0 : index
    %get3A_23 = arith.constant 0 : index
    %get3A_24 = vector.load %arg6[%get3A_22, %get3A_23] : memref<80x256xf32, #tpu.memory_space<vmem>>, vector<80x256xf32>
    %dot_general3A_25 = arith.constant dense<0.000000e+00> : vector<4x80xf32>
    %dot_general3A_26 = tpu.matmul %max3A_21, %get3A_24, %dot_general3A_25 {dimension_numbers = #tpu.dot_dimension_numbers<[1], [1], [0], [0], [0, 0, 1, 0], [], []>, transpose_lhs_hint = false} : vector<4x256xf32>, vector<80x256xf32>, vector<4x80xf32> -> vector<4x80xf32>
    %get3A_27 = arith.constant 0 : index
    %get3A_28 = arith.constant 0 : index
    %get3A_29 = vector.load %arg7[%get3A_27, %get3A_28] : memref<1x80xf32, #tpu.memory_space<vmem>>, vector<1x80xf32>
    %add3A_30 = vector.broadcast %get3A_29 : vector<1x80xf32> to vector<4x80xf32>
    %add3A_31 = arith.addf %dot_general3A_26, %add3A_30 : vector<4x80xf32>
    %reduce_max3A = arith.constant dense<0xFF800000> : vector<4xf32>
    %reduce_max3A_32 = vector.multi_reduction <maximumf>, %add3A_31, %reduce_max3A [1] : vector<4x80xf32> to vector<4xf32>
    %broadcast_in_dim3A = vector.shape_cast %reduce_max3A_32 : vector<4xf32> to vector<4x1xf32>
    %sub3A = vector.broadcast %broadcast_in_dim3A : vector<4x1xf32> to vector<4x80xf32>
    %sub3A_33 = arith.subf %add3A_31, %sub3A : vector<4x80xf32>
    %exp3A = math.exp %sub3A_33 : vector<4x80xf32>
    %reduce_sum3A_34 = arith.constant dense<0.000000e+00> : vector<4xf32>
    %reduce_sum3A_35 = vector.multi_reduction <add>, %exp3A, %reduce_sum3A_34 [1] : vector<4x80xf32> to vector<4xf32>
    %broadcast_in_dim3A_36 = vector.shape_cast %reduce_sum3A_35 : vector<4xf32> to vector<4x1xf32>
    %div3A = vector.broadcast %broadcast_in_dim3A_36 : vector<4x1xf32> to vector<4x80xf32>
    %div3A_37 = arith.divf %exp3A, %div3A : vector<4x80xf32>
    %get3A_38 = arith.constant 0 : index
    %get3A_39 = arith.constant 0 : index
    %get3A_40 = vector.load %arg8[%get3A_38, %get3A_39] : memref<1x1xf32, #tpu.memory_space<vmem>>, vector<1x1xf32>
    %get3A_41 = vector.extract %get3A_40[0, 0] : f32 from vector<1x1xf32>
    %max3A_42 = arith.constant 1.000000e-01 : f32
    %max3A_43 = arith.maximumf %get3A_41, %max3A_42 : f32
    %get3A_44 = arith.constant 0 : index
    %get3A_45 = arith.constant 0 : index
    %get3A_46 = vector.load %arg2[%get3A_44, %get3A_45] : memref<80x6144xf32, #tpu.memory_space<vmem>>, vector<80x6144xf32>
    %dot_general3A_47 = arith.constant dense<0.000000e+00> : vector<4x80xf32>
    %dot_general3A_48 = tpu.matmul %mul3A_10, %get3A_46, %dot_general3A_47 {dimension_numbers = #tpu.dot_dimension_numbers<[1], [1], [0], [0], [0, 0, 1, 0], [], []>, transpose_lhs_hint = false} : vector<4x6144xf32>, vector<80x6144xf32>, vector<4x80xf32> -> vector<4x80xf32>
    %get3A_49 = arith.constant 0 : index
    %get3A_50 = arith.constant 0 : index
    %get3A_51 = vector.load %arg3[%get3A_49, %get3A_50] : memref<1x80xf32, #tpu.memory_space<vmem>>, vector<1x80xf32>
    %add3A_52 = vector.broadcast %get3A_51 : vector<1x80xf32> to vector<4x80xf32>
    %add3A_53 = arith.addf %dot_general3A_48, %add3A_52 : vector<4x80xf32>
    %div3A_54 = vector.broadcast %max3A_43 : f32 to vector<4x80xf32>
    %div3A_55 = arith.divf %add3A_53, %div3A_54 : vector<4x80xf32>
    %add3A_56 = arith.addf %div3A_55, %div3A_37 : vector<4x80xf32>
    %mul3A_57 = arith.constant 5.000000e-01 : f32
    %mul3A_58 = vector.broadcast %mul3A_57 : f32 to vector<4x80xf32>
    %mul3A_59 = arith.mulf %add3A_56, %mul3A_58 : vector<4x80xf32>
    %reduce_max3A_60 = arith.constant dense<0xFF800000> : vector<4xf32>
    %reduce_max3A_61 = vector.multi_reduction <maximumf>, %mul3A_59, %reduce_max3A_60 [1] : vector<4x80xf32> to vector<4xf32>
    %broadcast_in_dim3A_62 = vector.shape_cast %reduce_max3A_61 : vector<4xf32> to vector<4x1xf32>
    %sub3A_63 = vector.broadcast %broadcast_in_dim3A_62 : vector<4x1xf32> to vector<4x80xf32>
    %sub3A_64 = arith.subf %mul3A_59, %sub3A_63 : vector<4x80xf32>
    %exp3A_65 = math.exp %sub3A_64 : vector<4x80xf32>
    %reduce_sum3A_66 = arith.constant dense<0.000000e+00> : vector<4xf32>
    %reduce_sum3A_67 = vector.multi_reduction <add>, %exp3A_65, %reduce_sum3A_66 [1] : vector<4x80xf32> to vector<4xf32>
    %broadcast_in_dim3A_68 = vector.shape_cast %reduce_sum3A_67 : vector<4xf32> to vector<4x1xf32>
    %div3A_69 = vector.broadcast %broadcast_in_dim3A_68 : vector<4x1xf32> to vector<4x80xf32>
    %div3A_70 = arith.divf %exp3A_65, %div3A_69 : vector<4x80xf32>
    %add3A_71 = arith.constant 9.99999997E-7 : f32
    %add3A_72 = vector.broadcast %add3A_71 : f32 to vector<4x80xf32>
    %add3A_73 = arith.addf %div3A_70, %add3A_72 : vector<4x80xf32>
    %log3A = math.log %add3A_73 : vector<4x80xf32>
    %mul3A_74 = arith.mulf %div3A_70, %log3A : vector<4x80xf32>
    %reduce_sum3A_75 = arith.constant dense<0.000000e+00> : vector<4xf32>
    %reduce_sum3A_76 = vector.multi_reduction <add>, %mul3A_74, %reduce_sum3A_75 [1] : vector<4x80xf32> to vector<4xf32>
    %reduce_sum3A_77 = vector.shape_cast %reduce_sum3A_76 : vector<4xf32> to vector<1x4xf32>
    %reduce_sum3A_78 = arith.constant dense<0.000000e+00> : vector<1xf32>
    %reduce_sum3A_79 = vector.multi_reduction <add>, %reduce_sum3A_77, %reduce_sum3A_78 [1] : vector<1x4xf32> to vector<1xf32>
    %reduce_sum3A_80 = vector.shape_cast %reduce_sum3A_79 : vector<1xf32> to vector<1x1xf32>
    %reduce_sum3A_81 = vector.extract %reduce_sum3A_80[0, 0] : f32 from vector<1x1xf32>
    %div3A_82 = arith.constant 4.000000e+00 : f32
    %div3A_83 = arith.divf %reduce_sum3A_81, %div3A_82 : f32
    %neg3A = arith.constant 0.000000e+00 : f32
    %neg3A_84 = arith.subf %neg3A, %div3A_83 : f32
    %mul3A_85 = arith.constant -1.000000e-01 : f32
    %mul3A_86 = arith.mulf %mul3A_85, %neg3A_84 : f32
    %reduce_max3A_87 = arith.constant dense<0xFF800000> : vector<4xf32>
    %reduce_max3A_88 = vector.multi_reduction <maximumf>, %div3A_55, %reduce_max3A_87 [1] : vector<4x80xf32> to vector<4xf32>
    %broadcast_in_dim3A_89 = vector.shape_cast %reduce_max3A_88 : vector<4xf32> to vector<4x1xf32>
    %sub3A_90 = vector.broadcast %broadcast_in_dim3A_89 : vector<4x1xf32> to vector<4x80xf32>
    %sub3A_91 = arith.subf %div3A_55, %sub3A_90 : vector<4x80xf32>
    %exp3A_92 = math.exp %sub3A_91 : vector<4x80xf32>
    %reduce_sum3A_93 = arith.constant dense<0.000000e+00> : vector<4xf32>
    %reduce_sum3A_94 = vector.multi_reduction <add>, %exp3A_92, %reduce_sum3A_93 [1] : vector<4x80xf32> to vector<4xf32>
    %broadcast_in_dim3A_95 = vector.shape_cast %reduce_sum3A_94 : vector<4xf32> to vector<4x1xf32>
    %log3A_96 = math.log %broadcast_in_dim3A_95 : vector<4x1xf32>
    %add3A_97 = arith.addf %log3A_96, %broadcast_in_dim3A_89 : vector<4x1xf32>
    %mul3A_98 = arith.mulf %add3A_97, %add3A_97 : vector<4x1xf32>
    %reduce_sum3A_99 = vector.shape_cast %mul3A_98 : vector<4x1xf32> to vector<1x4x1xf32>
    %reduce_sum3A_100 = arith.constant dense<0.000000e+00> : vector<1xf32>
    %reduce_sum3A_101 = vector.multi_reduction <add>, %reduce_sum3A_99, %reduce_sum3A_100 [1, 2] : vector<1x4x1xf32> to vector<1xf32>
    %reduce_sum3A_102 = vector.shape_cast %reduce_sum3A_101 : vector<1xf32> to vector<1x1x1xf32>
    %reduce_sum3A_103 = vector.extract %reduce_sum3A_102[0, 0, 0] : f32 from vector<1x1x1xf32>
    %div3A_104 = arith.constant 4.000000e+00 : f32
    %div3A_105 = arith.divf %reduce_sum3A_103, %div3A_104 : f32
    %mul3A_106 = arith.constant 9.99999974E-5 : f32
    %mul3A_107 = arith.mulf %mul3A_106, %div3A_105 : f32
    %iota3A = tpu.iota {dimensions = array<i32: 1>} : vector<4x80xi32>
    %broadcast_in_dim3A_108 = arith.constant 0.000000e+00 : f32
    %broadcast_in_dim3A_109 = vector.broadcast %broadcast_in_dim3A_108 : f32 to vector<1x80xf32>
    %reduce_max3A_110 = arith.constant dense<0xFF800000> : vector<4xf32>
    %reduce_max3A_111 = vector.multi_reduction <maximumf>, %div3A_70, %reduce_max3A_110 [1] : vector<4x80xf32> to vector<4xf32>
    %broadcast_in_dim3A_112 = vector.shape_cast %reduce_max3A_111 : vector<4xf32> to vector<4x1xf32>
    %eq3A = vector.broadcast %broadcast_in_dim3A_112 : vector<4x1xf32> to vector<4x80xf32>
    %eq3A_113 = arith.cmpf oeq, %div3A_70, %eq3A : vector<4x80xf32>
    %jit3A = arith.constant 80 : i32
    %broadcast_in_dim3A_114 = vector.broadcast %jit3A : i32 to vector<4x80xi32>
    %select_n3A = arith.select %eq3A_113, %iota3A, %broadcast_in_dim3A_114 : vector<4x80xi1>, vector<4x80xi32>
    %reduce_min3A = arith.constant dense<2147483647> : vector<4xi32>
    %reduce_min3A_115 = vector.multi_reduction <minsi>, %select_n3A, %reduce_min3A [1] : vector<4x80xi32> to vector<4xi32>
    %broadcast_in_dim3A_116 = vector.shape_cast %reduce_min3A_115 : vector<4xi32> to vector<4x1xi32>
    %mul3A_117 = vector.broadcast %max3A_43 : f32 to vector<4x1xf32>
    %mul3A_118 = arith.mulf %broadcast_in_dim3A_112, %mul3A_117 : vector<4x1xf32>
    %eq3A_119 = vector.broadcast %broadcast_in_dim3A_116 : vector<4x1xi32> to vector<4x80xi32>
    %eq3A_120 = arith.cmpi eq, %iota3A, %eq3A_119 : vector<4x80xi32>
    %jit3A_121 = arith.constant 0.000000e+00 : f32
    %broadcast_in_dim3A_122 = vector.shape_cast %mul3A_118 : vector<4x1xf32> to vector<4x1xf32>
    %broadcast_in_dim3A_123 = vector.broadcast %broadcast_in_dim3A_122 : vector<4x1xf32> to vector<4x80xf32>
    %broadcast_in_dim3A_124 = vector.broadcast %jit3A_121 : f32 to vector<4x80xf32>
    %select_n3A_125 = arith.select %eq3A_120, %broadcast_in_dim3A_123, %broadcast_in_dim3A_124 : vector<4x80xi1>, vector<4x80xf32>
    %reduce_sum3A_126 = arith.constant dense<0.000000e+00> : vector<80xf32>
    %reduce_sum3A_127 = vector.multi_reduction <add>, %select_n3A_125, %reduce_sum3A_126 [0] : vector<4x80xf32> to vector<80xf32>
    %broadcast_in_dim3A_128 = vector.shape_cast %reduce_sum3A_127 : vector<80xf32> to vector<1x80xf32>
    %add3A_129 = arith.addf %broadcast_in_dim3A_109, %broadcast_in_dim3A_128 : vector<1x80xf32>
    %eq3A_130 = vector.broadcast %broadcast_in_dim3A_116 : vector<4x1xi32> to vector<4x80xi32>
    %eq3A_131 = arith.cmpi eq, %iota3A, %eq3A_130 : vector<4x80xi32>
    %jit3A_132 = arith.constant -1.000000e+00 : f32
    %broadcast_in_dim3A_133 = vector.broadcast %jit3A_132 : f32 to vector<4x80xf32>
    %select_n3A_134 = arith.select %eq3A_131, %broadcast_in_dim3A_133, %div3A_70 : vector<4x80xi1>, vector<4x80xf32>
    %reduce_max3A_135 = arith.constant dense<0xFF800000> : vector<4xf32>
    %reduce_max3A_136 = vector.multi_reduction <maximumf>, %select_n3A_134, %reduce_max3A_135 [1] : vector<4x80xf32> to vector<4xf32>
    %broadcast_in_dim3A_137 = vector.shape_cast %reduce_max3A_136 : vector<4xf32> to vector<4x1xf32>
    %eq3A_138 = vector.broadcast %broadcast_in_dim3A_137 : vector<4x1xf32> to vector<4x80xf32>
    %eq3A_139 = arith.cmpf oeq, %select_n3A_134, %eq3A_138 : vector<4x80xf32>
    %jit3A_140 = arith.constant 80 : i32
    %broadcast_in_dim3A_141 = vector.broadcast %jit3A_140 : i32 to vector<4x80xi32>
    %select_n3A_142 = arith.select %eq3A_139, %iota3A, %broadcast_in_dim3A_141 : vector<4x80xi1>, vector<4x80xi32>
    %reduce_min3A_143 = arith.constant dense<2147483647> : vector<4xi32>
    %reduce_min3A_144 = vector.multi_reduction <minsi>, %select_n3A_142, %reduce_min3A_143 [1] : vector<4x80xi32> to vector<4xi32>
    %broadcast_in_dim3A_145 = vector.shape_cast %reduce_min3A_144 : vector<4xi32> to vector<4x1xi32>
    %mul3A_146 = vector.broadcast %max3A_43 : f32 to vector<4x1xf32>
    %mul3A_147 = arith.mulf %broadcast_in_dim3A_137, %mul3A_146 : vector<4x1xf32>
    %eq3A_148 = vector.broadcast %broadcast_in_dim3A_145 : vector<4x1xi32> to vector<4x80xi32>
    %eq3A_149 = arith.cmpi eq, %iota3A, %eq3A_148 : vector<4x80xi32>
    %jit3A_150 = arith.constant 0.000000e+00 : f32
    %broadcast_in_dim3A_151 = vector.shape_cast %mul3A_147 : vector<4x1xf32> to vector<4x1xf32>
    %broadcast_in_dim3A_152 = vector.broadcast %broadcast_in_dim3A_151 : vector<4x1xf32> to vector<4x80xf32>
    %broadcast_in_dim3A_153 = vector.broadcast %jit3A_150 : f32 to vector<4x80xf32>
    %select_n3A_154 = arith.select %eq3A_149, %broadcast_in_dim3A_152, %broadcast_in_dim3A_153 : vector<4x80xi1>, vector<4x80xf32>
    %reduce_sum3A_155 = arith.constant dense<0.000000e+00> : vector<80xf32>
    %reduce_sum3A_156 = vector.multi_reduction <add>, %select_n3A_154, %reduce_sum3A_155 [0] : vector<4x80xf32> to vector<80xf32>
    %broadcast_in_dim3A_157 = vector.shape_cast %reduce_sum3A_156 : vector<80xf32> to vector<1x80xf32>
    %add3A_158 = arith.addf %add3A_129, %broadcast_in_dim3A_157 : vector<1x80xf32>
    %eq3A_159 = vector.broadcast %broadcast_in_dim3A_145 : vector<4x1xi32> to vector<4x80xi32>
    %eq3A_160 = arith.cmpi eq, %iota3A, %eq3A_159 : vector<4x80xi32>
    %jit3A_161 = arith.constant -1.000000e+00 : f32
    %broadcast_in_dim3A_162 = vector.broadcast %jit3A_161 : f32 to vector<4x80xf32>
    %select_n3A_163 = arith.select %eq3A_160, %broadcast_in_dim3A_162, %select_n3A_134 : vector<4x80xi1>, vector<4x80xf32>
    %reduce_max3A_164 = arith.constant dense<0xFF800000> : vector<4xf32>
    %reduce_max3A_165 = vector.multi_reduction <maximumf>, %select_n3A_163, %reduce_max3A_164 [1] : vector<4x80xf32> to vector<4xf32>
    %broadcast_in_dim3A_166 = vector.shape_cast %reduce_max3A_165 : vector<4xf32> to vector<4x1xf32>
    %eq3A_167 = vector.broadcast %broadcast_in_dim3A_166 : vector<4x1xf32> to vector<4x80xf32>
    %eq3A_168 = arith.cmpf oeq, %select_n3A_163, %eq3A_167 : vector<4x80xf32>
    %jit3A_169 = arith.constant 80 : i32
    %broadcast_in_dim3A_170 = vector.broadcast %jit3A_169 : i32 to vector<4x80xi32>
    %select_n3A_171 = arith.select %eq3A_168, %iota3A, %broadcast_in_dim3A_170 : vector<4x80xi1>, vector<4x80xi32>
    %reduce_min3A_172 = arith.constant dense<2147483647> : vector<4xi32>
    %reduce_min3A_173 = vector.multi_reduction <minsi>, %select_n3A_171, %reduce_min3A_172 [1] : vector<4x80xi32> to vector<4xi32>
    %broadcast_in_dim3A_174 = vector.shape_cast %reduce_min3A_173 : vector<4xi32> to vector<4x1xi32>
    %mul3A_175 = vector.broadcast %max3A_43 : f32 to vector<4x1xf32>
    %mul3A_176 = arith.mulf %broadcast_in_dim3A_166, %mul3A_175 : vector<4x1xf32>
    %eq3A_177 = vector.broadcast %broadcast_in_dim3A_174 : vector<4x1xi32> to vector<4x80xi32>
    %eq3A_178 = arith.cmpi eq, %iota3A, %eq3A_177 : vector<4x80xi32>
    %jit3A_179 = arith.constant 0.000000e+00 : f32
    %broadcast_in_dim3A_180 = vector.shape_cast %mul3A_176 : vector<4x1xf32> to vector<4x1xf32>
    %broadcast_in_dim3A_181 = vector.broadcast %broadcast_in_dim3A_180 : vector<4x1xf32> to vector<4x80xf32>
    %broadcast_in_dim3A_182 = vector.broadcast %jit3A_179 : f32 to vector<4x80xf32>
    %select_n3A_183 = arith.select %eq3A_178, %broadcast_in_dim3A_181, %broadcast_in_dim3A_182 : vector<4x80xi1>, vector<4x80xf32>
    %reduce_sum3A_184 = arith.constant dense<0.000000e+00> : vector<80xf32>
    %reduce_sum3A_185 = vector.multi_reduction <add>, %select_n3A_183, %reduce_sum3A_184 [0] : vector<4x80xf32> to vector<80xf32>
    %broadcast_in_dim3A_186 = vector.shape_cast %reduce_sum3A_185 : vector<80xf32> to vector<1x80xf32>
    %add3A_187 = arith.addf %add3A_158, %broadcast_in_dim3A_186 : vector<1x80xf32>
    %eq3A_188 = vector.broadcast %broadcast_in_dim3A_174 : vector<4x1xi32> to vector<4x80xi32>
    %eq3A_189 = arith.cmpi eq, %iota3A, %eq3A_188 : vector<4x80xi32>
    %jit3A_190 = arith.constant -1.000000e+00 : f32
    %broadcast_in_dim3A_191 = vector.broadcast %jit3A_190 : f32 to vector<4x80xf32>
    %select_n3A_192 = arith.select %eq3A_189, %broadcast_in_dim3A_191, %select_n3A_163 : vector<4x80xi1>, vector<4x80xf32>
    %reduce_max3A_193 = arith.constant dense<0xFF800000> : vector<4xf32>
    %reduce_max3A_194 = vector.multi_reduction <maximumf>, %select_n3A_192, %reduce_max3A_193 [1] : vector<4x80xf32> to vector<4xf32>
    %broadcast_in_dim3A_195 = vector.shape_cast %reduce_max3A_194 : vector<4xf32> to vector<4x1xf32>
    %eq3A_196 = vector.broadcast %broadcast_in_dim3A_195 : vector<4x1xf32> to vector<4x80xf32>
    %eq3A_197 = arith.cmpf oeq, %select_n3A_192, %eq3A_196 : vector<4x80xf32>
    %jit3A_198 = arith.constant 80 : i32
    %broadcast_in_dim3A_199 = vector.broadcast %jit3A_198 : i32 to vector<4x80xi32>
    %select_n3A_200 = arith.select %eq3A_197, %iota3A, %broadcast_in_dim3A_199 : vector<4x80xi1>, vector<4x80xi32>
    %reduce_min3A_201 = arith.constant dense<2147483647> : vector<4xi32>
    %reduce_min3A_202 = vector.multi_reduction <minsi>, %select_n3A_200, %reduce_min3A_201 [1] : vector<4x80xi32> to vector<4xi32>
    %broadcast_in_dim3A_203 = vector.shape_cast %reduce_min3A_202 : vector<4xi32> to vector<4x1xi32>
    %mul3A_204 = vector.broadcast %max3A_43 : f32 to vector<4x1xf32>
    %mul3A_205 = arith.mulf %broadcast_in_dim3A_195, %mul3A_204 : vector<4x1xf32>
    %eq3A_206 = vector.broadcast %broadcast_in_dim3A_203 : vector<4x1xi32> to vector<4x80xi32>
    %eq3A_207 = arith.cmpi eq, %iota3A, %eq3A_206 : vector<4x80xi32>
    %jit3A_208 = arith.constant 0.000000e+00 : f32
    %broadcast_in_dim3A_209 = vector.shape_cast %mul3A_205 : vector<4x1xf32> to vector<4x1xf32>
    %broadcast_in_dim3A_210 = vector.broadcast %broadcast_in_dim3A_209 : vector<4x1xf32> to vector<4x80xf32>
    %broadcast_in_dim3A_211 = vector.broadcast %jit3A_208 : f32 to vector<4x80xf32>
    %select_n3A_212 = arith.select %eq3A_207, %broadcast_in_dim3A_210, %broadcast_in_dim3A_211 : vector<4x80xi1>, vector<4x80xf32>
    %reduce_sum3A_213 = arith.constant dense<0.000000e+00> : vector<80xf32>
    %reduce_sum3A_214 = vector.multi_reduction <add>, %select_n3A_212, %reduce_sum3A_213 [0] : vector<4x80xf32> to vector<80xf32>
    %broadcast_in_dim3A_215 = vector.shape_cast %reduce_sum3A_214 : vector<80xf32> to vector<1x80xf32>
    %add3A_216 = arith.addf %add3A_187, %broadcast_in_dim3A_215 : vector<1x80xf32>
    %eq3A_217 = vector.broadcast %broadcast_in_dim3A_203 : vector<4x1xi32> to vector<4x80xi32>
    %eq3A_218 = arith.cmpi eq, %iota3A, %eq3A_217 : vector<4x80xi32>
    %jit3A_219 = arith.constant -1.000000e+00 : f32
    %broadcast_in_dim3A_220 = vector.broadcast %jit3A_219 : f32 to vector<4x80xf32>
    %select_n3A_221 = arith.select %eq3A_218, %broadcast_in_dim3A_220, %select_n3A_192 : vector<4x80xi1>, vector<4x80xf32>
    %reduce_max3A_222 = arith.constant dense<0xFF800000> : vector<4xf32>
    %reduce_max3A_223 = vector.multi_reduction <maximumf>, %select_n3A_221, %reduce_max3A_222 [1] : vector<4x80xf32> to vector<4xf32>
    %broadcast_in_dim3A_224 = vector.shape_cast %reduce_max3A_223 : vector<4xf32> to vector<4x1xf32>
    %eq3A_225 = vector.broadcast %broadcast_in_dim3A_224 : vector<4x1xf32> to vector<4x80xf32>
    %eq3A_226 = arith.cmpf oeq, %select_n3A_221, %eq3A_225 : vector<4x80xf32>
    %jit3A_227 = arith.constant 80 : i32
    %broadcast_in_dim3A_228 = vector.broadcast %jit3A_227 : i32 to vector<4x80xi32>
    %select_n3A_229 = arith.select %eq3A_226, %iota3A, %broadcast_in_dim3A_228 : vector<4x80xi1>, vector<4x80xi32>
    %reduce_min3A_230 = arith.constant dense<2147483647> : vector<4xi32>
    %reduce_min3A_231 = vector.multi_reduction <minsi>, %select_n3A_229, %reduce_min3A_230 [1] : vector<4x80xi32> to vector<4xi32>
    %broadcast_in_dim3A_232 = vector.shape_cast %reduce_min3A_231 : vector<4xi32> to vector<4x1xi32>
    %mul3A_233 = vector.broadcast %max3A_43 : f32 to vector<4x1xf32>
    %mul3A_234 = arith.mulf %broadcast_in_dim3A_224, %mul3A_233 : vector<4x1xf32>
    %eq3A_235 = vector.broadcast %broadcast_in_dim3A_232 : vector<4x1xi32> to vector<4x80xi32>
    %eq3A_236 = arith.cmpi eq, %iota3A, %eq3A_235 : vector<4x80xi32>
    %jit3A_237 = arith.constant 0.000000e+00 : f32
    %broadcast_in_dim3A_238 = vector.shape_cast %mul3A_234 : vector<4x1xf32> to vector<4x1xf32>
    %broadcast_in_dim3A_239 = vector.broadcast %broadcast_in_dim3A_238 : vector<4x1xf32> to vector<4x80xf32>
    %broadcast_in_dim3A_240 = vector.broadcast %jit3A_237 : f32 to vector<4x80xf32>
    %select_n3A_241 = arith.select %eq3A_236, %broadcast_in_dim3A_239, %broadcast_in_dim3A_240 : vector<4x80xi1>, vector<4x80xf32>
    %reduce_sum3A_242 = arith.constant dense<0.000000e+00> : vector<80xf32>
    %reduce_sum3A_243 = vector.multi_reduction <add>, %select_n3A_241, %reduce_sum3A_242 [0] : vector<4x80xf32> to vector<80xf32>
    %broadcast_in_dim3A_244 = vector.shape_cast %reduce_sum3A_243 : vector<80xf32> to vector<1x80xf32>
    %add3A_245 = arith.addf %add3A_216, %broadcast_in_dim3A_244 : vector<1x80xf32>
    %eq3A_246 = vector.broadcast %broadcast_in_dim3A_232 : vector<4x1xi32> to vector<4x80xi32>
    %eq3A_247 = arith.cmpi eq, %iota3A, %eq3A_246 : vector<4x80xi32>
    %jit3A_248 = arith.constant -1.000000e+00 : f32
    %broadcast_in_dim3A_249 = vector.broadcast %jit3A_248 : f32 to vector<4x80xf32>
    %select_n3A_250 = arith.select %eq3A_247, %broadcast_in_dim3A_249, %select_n3A_221 : vector<4x80xi1>, vector<4x80xf32>
    %reduce_max3A_251 = arith.constant dense<0xFF800000> : vector<4xf32>
    %reduce_max3A_252 = vector.multi_reduction <maximumf>, %select_n3A_250, %reduce_max3A_251 [1] : vector<4x80xf32> to vector<4xf32>
    %broadcast_in_dim3A_253 = vector.shape_cast %reduce_max3A_252 : vector<4xf32> to vector<4x1xf32>
    %eq3A_254 = vector.broadcast %broadcast_in_dim3A_253 : vector<4x1xf32> to vector<4x80xf32>
    %eq3A_255 = arith.cmpf oeq, %select_n3A_250, %eq3A_254 : vector<4x80xf32>
    %jit3A_256 = arith.constant 80 : i32
    %broadcast_in_dim3A_257 = vector.broadcast %jit3A_256 : i32 to vector<4x80xi32>
    %select_n3A_258 = arith.select %eq3A_255, %iota3A, %broadcast_in_dim3A_257 : vector<4x80xi1>, vector<4x80xi32>
    %reduce_min3A_259 = arith.constant dense<2147483647> : vector<4xi32>
    %reduce_min3A_260 = vector.multi_reduction <minsi>, %select_n3A_258, %reduce_min3A_259 [1] : vector<4x80xi32> to vector<4xi32>
    %broadcast_in_dim3A_261 = vector.shape_cast %reduce_min3A_260 : vector<4xi32> to vector<4x1xi32>
    %mul3A_262 = vector.broadcast %max3A_43 : f32 to vector<4x1xf32>
    %mul3A_263 = arith.mulf %broadcast_in_dim3A_253, %mul3A_262 : vector<4x1xf32>
    %eq3A_264 = vector.broadcast %broadcast_in_dim3A_261 : vector<4x1xi32> to vector<4x80xi32>
    %eq3A_265 = arith.cmpi eq, %iota3A, %eq3A_264 : vector<4x80xi32>
    %jit3A_266 = arith.constant 0.000000e+00 : f32
    %broadcast_in_dim3A_267 = vector.shape_cast %mul3A_263 : vector<4x1xf32> to vector<4x1xf32>
    %broadcast_in_dim3A_268 = vector.broadcast %broadcast_in_dim3A_267 : vector<4x1xf32> to vector<4x80xf32>
    %broadcast_in_dim3A_269 = vector.broadcast %jit3A_266 : f32 to vector<4x80xf32>
    %select_n3A_270 = arith.select %eq3A_265, %broadcast_in_dim3A_268, %broadcast_in_dim3A_269 : vector<4x80xi1>, vector<4x80xf32>
    %reduce_sum3A_271 = arith.constant dense<0.000000e+00> : vector<80xf32>
    %reduce_sum3A_272 = vector.multi_reduction <add>, %select_n3A_270, %reduce_sum3A_271 [0] : vector<4x80xf32> to vector<80xf32>
    %broadcast_in_dim3A_273 = vector.shape_cast %reduce_sum3A_272 : vector<80xf32> to vector<1x80xf32>
    %add3A_274 = arith.addf %add3A_245, %broadcast_in_dim3A_273 : vector<1x80xf32>
    %eq3A_275 = vector.broadcast %broadcast_in_dim3A_261 : vector<4x1xi32> to vector<4x80xi32>
    %eq3A_276 = arith.cmpi eq, %iota3A, %eq3A_275 : vector<4x80xi32>
    %jit3A_277 = arith.constant -1.000000e+00 : f32
    %broadcast_in_dim3A_278 = vector.broadcast %jit3A_277 : f32 to vector<4x80xf32>
    %select_n3A_279 = arith.select %eq3A_276, %broadcast_in_dim3A_278, %select_n3A_250 : vector<4x80xi1>, vector<4x80xf32>
    %reduce_max3A_280 = arith.constant dense<0xFF800000> : vector<4xf32>
    %reduce_max3A_281 = vector.multi_reduction <maximumf>, %select_n3A_279, %reduce_max3A_280 [1] : vector<4x80xf32> to vector<4xf32>
    %broadcast_in_dim3A_282 = vector.shape_cast %reduce_max3A_281 : vector<4xf32> to vector<4x1xf32>
    %eq3A_283 = vector.broadcast %broadcast_in_dim3A_282 : vector<4x1xf32> to vector<4x80xf32>
    %eq3A_284 = arith.cmpf oeq, %select_n3A_279, %eq3A_283 : vector<4x80xf32>
    %jit3A_285 = arith.constant 80 : i32
    %broadcast_in_dim3A_286 = vector.broadcast %jit3A_285 : i32 to vector<4x80xi32>
    %select_n3A_287 = arith.select %eq3A_284, %iota3A, %broadcast_in_dim3A_286 : vector<4x80xi1>, vector<4x80xi32>
    %reduce_min3A_288 = arith.constant dense<2147483647> : vector<4xi32>
    %reduce_min3A_289 = vector.multi_reduction <minsi>, %select_n3A_287, %reduce_min3A_288 [1] : vector<4x80xi32> to vector<4xi32>
    %broadcast_in_dim3A_290 = vector.shape_cast %reduce_min3A_289 : vector<4xi32> to vector<4x1xi32>
    %mul3A_291 = vector.broadcast %max3A_43 : f32 to vector<4x1xf32>
    %mul3A_292 = arith.mulf %broadcast_in_dim3A_282, %mul3A_291 : vector<4x1xf32>
    %eq3A_293 = vector.broadcast %broadcast_in_dim3A_290 : vector<4x1xi32> to vector<4x80xi32>
    %eq3A_294 = arith.cmpi eq, %iota3A, %eq3A_293 : vector<4x80xi32>
    %jit3A_295 = arith.constant 0.000000e+00 : f32
    %broadcast_in_dim3A_296 = vector.shape_cast %mul3A_292 : vector<4x1xf32> to vector<4x1xf32>
    %broadcast_in_dim3A_297 = vector.broadcast %broadcast_in_dim3A_296 : vector<4x1xf32> to vector<4x80xf32>
    %broadcast_in_dim3A_298 = vector.broadcast %jit3A_295 : f32 to vector<4x80xf32>
    %select_n3A_299 = arith.select %eq3A_294, %broadcast_in_dim3A_297, %broadcast_in_dim3A_298 : vector<4x80xi1>, vector<4x80xf32>
    %reduce_sum3A_300 = arith.constant dense<0.000000e+00> : vector<80xf32>
    %reduce_sum3A_301 = vector.multi_reduction <add>, %select_n3A_299, %reduce_sum3A_300 [0] : vector<4x80xf32> to vector<80xf32>
    %broadcast_in_dim3A_302 = vector.shape_cast %reduce_sum3A_301 : vector<80xf32> to vector<1x80xf32>
    %add3A_303 = arith.addf %add3A_274, %broadcast_in_dim3A_302 : vector<1x80xf32>
    %eq3A_304 = vector.broadcast %broadcast_in_dim3A_290 : vector<4x1xi32> to vector<4x80xi32>
    %eq3A_305 = arith.cmpi eq, %iota3A, %eq3A_304 : vector<4x80xi32>
    %jit3A_306 = arith.constant -1.000000e+00 : f32
    %broadcast_in_dim3A_307 = vector.broadcast %jit3A_306 : f32 to vector<4x80xf32>
    %select_n3A_308 = arith.select %eq3A_305, %broadcast_in_dim3A_307, %select_n3A_279 : vector<4x80xi1>, vector<4x80xf32>
    %reduce_max3A_309 = arith.constant dense<0xFF800000> : vector<4xf32>
    %reduce_max3A_310 = vector.multi_reduction <maximumf>, %select_n3A_308, %reduce_max3A_309 [1] : vector<4x80xf32> to vector<4xf32>
    %broadcast_in_dim3A_311 = vector.shape_cast %reduce_max3A_310 : vector<4xf32> to vector<4x1xf32>
    %eq3A_312 = vector.broadcast %broadcast_in_dim3A_311 : vector<4x1xf32> to vector<4x80xf32>
    %eq3A_313 = arith.cmpf oeq, %select_n3A_308, %eq3A_312 : vector<4x80xf32>
    %jit3A_314 = arith.constant 80 : i32
    %broadcast_in_dim3A_315 = vector.broadcast %jit3A_314 : i32 to vector<4x80xi32>
    %select_n3A_316 = arith.select %eq3A_313, %iota3A, %broadcast_in_dim3A_315 : vector<4x80xi1>, vector<4x80xi32>
    %reduce_min3A_317 = arith.constant dense<2147483647> : vector<4xi32>
    %reduce_min3A_318 = vector.multi_reduction <minsi>, %select_n3A_316, %reduce_min3A_317 [1] : vector<4x80xi32> to vector<4xi32>
    %broadcast_in_dim3A_319 = vector.shape_cast %reduce_min3A_318 : vector<4xi32> to vector<4x1xi32>
    %mul3A_320 = vector.broadcast %max3A_43 : f32 to vector<4x1xf32>
    %mul3A_321 = arith.mulf %broadcast_in_dim3A_311, %mul3A_320 : vector<4x1xf32>
    %eq3A_322 = vector.broadcast %broadcast_in_dim3A_319 : vector<4x1xi32> to vector<4x80xi32>
    %eq3A_323 = arith.cmpi eq, %iota3A, %eq3A_322 : vector<4x80xi32>
    %jit3A_324 = arith.constant 0.000000e+00 : f32
    %broadcast_in_dim3A_325 = vector.shape_cast %mul3A_321 : vector<4x1xf32> to vector<4x1xf32>
    %broadcast_in_dim3A_326 = vector.broadcast %broadcast_in_dim3A_325 : vector<4x1xf32> to vector<4x80xf32>
    %broadcast_in_dim3A_327 = vector.broadcast %jit3A_324 : f32 to vector<4x80xf32>
    %select_n3A_328 = arith.select %eq3A_323, %broadcast_in_dim3A_326, %broadcast_in_dim3A_327 : vector<4x80xi1>, vector<4x80xf32>
    %reduce_sum3A_329 = arith.constant dense<0.000000e+00> : vector<80xf32>
    %reduce_sum3A_330 = vector.multi_reduction <add>, %select_n3A_328, %reduce_sum3A_329 [0] : vector<4x80xf32> to vector<80xf32>
    %broadcast_in_dim3A_331 = vector.shape_cast %reduce_sum3A_330 : vector<80xf32> to vector<1x80xf32>
    %add3A_332 = arith.addf %add3A_303, %broadcast_in_dim3A_331 : vector<1x80xf32>
    %swap3A = arith.constant 0 : index
    %swap3A_333 = arith.constant 0 : index
    %swap3A_334 = vector.load %arg11[%swap3A, %swap3A_333] : memref<1x80xf32, #tpu.memory_space<vmem>>, vector<1x80xf32>
    tpu.vector_store %arg11[%swap3A, %swap3A_333], %add3A_332 {strides = array<i32>} : memref<1x80xf32, #tpu.memory_space<vmem>>, vector<1x80xf32>,
    %concatenate3A = tpu.concatenate %mul3A_118, %mul3A_147, %mul3A_176, %mul3A_205, %mul3A_234, %mul3A_263, %mul3A_292, %mul3A_321 in 1 : vector<4x1xf32>, vector<4x1xf32>, vector<4x1xf32>, vector<4x1xf32>, vector<4x1xf32>, vector<4x1xf32>, vector<4x1xf32>, vector<4x1xf32> -> vector<4x8xf32>
    %swap3A_335 = arith.constant 0 : index
    %swap3A_336 = arith.constant 0 : index
    %swap3A_337 = vector.load %arg9[%swap3A_335, %swap3A_336] : memref<4x8xf32, #tpu.memory_space<vmem>>, vector<4x8xf32>
    tpu.vector_store %arg9[%swap3A_335, %swap3A_336], %concatenate3A {strides = array<i32>} : memref<4x8xf32, #tpu.memory_space<vmem>>, vector<4x8xf32>,
    %concatenate3A_338 = tpu.concatenate %broadcast_in_dim3A_116, %broadcast_in_dim3A_145, %broadcast_in_dim3A_174, %broadcast_in_dim3A_203, %broadcast_in_dim3A_232, %broadcast_in_dim3A_261, %broadcast_in_dim3A_290, %broadcast_in_dim3A_319 in 1 : vector<4x1xi32>, vector<4x1xi32>, vector<4x1xi32>, vector<4x1xi32>, vector<4x1xi32>, vector<4x1xi32>, vector<4x1xi32>, vector<4x1xi32> -> vector<4x8xi32>
    %swap3A_339 = arith.constant 0 : index
    %swap3A_340 = arith.constant 0 : index
    %swap3A_341 = vector.load %arg10[%swap3A_339, %swap3A_340] : memref<4x8xi32, #tpu.memory_space<vmem>>, vector<4x8xi32>
    tpu.vector_store %arg10[%swap3A_339, %swap3A_340], %concatenate3A_338 {strides = array<i32>} : memref<4x8xi32, #tpu.memory_space<vmem>>, vector<4x8xi32>,
    %reduce_sum3A_342 = vector.shape_cast %add3A_332 : vector<1x80xf32> to vector<1x1x80xf32>
    %reduce_sum3A_343 = arith.constant dense<0.000000e+00> : vector<1xf32>
    %reduce_sum3A_344 = vector.multi_reduction <add>, %reduce_sum3A_342, %reduce_sum3A_343 [1, 2] : vector<1x1x80xf32> to vector<1xf32>
    %reduce_sum3A_345 = vector.shape_cast %reduce_sum3A_344 : vector<1xf32> to vector<1x1x1xf32>
    %reduce_sum3A_346 = vector.extract %reduce_sum3A_345[0, 0, 0] : f32 from vector<1x1x1xf32>
    %div3A_347 = arith.constant 8.000000e+01 : f32
    %div3A_348 = arith.divf %reduce_sum3A_346, %div3A_347 : f32
    %add3A_349 = arith.constant 9.99999997E-7 : f32
    %add3A_350 = arith.addf %div3A_348, %add3A_349 : f32
    %div3A_351 = vector.broadcast %add3A_350 : f32 to vector<1x80xf32>
    %div3A_352 = arith.divf %add3A_332, %div3A_351 : vector<1x80xf32>
    %reduce_sum3A_353 = vector.shape_cast %div3A_352 : vector<1x80xf32> to vector<1x1x80xf32>
    %reduce_sum3A_354 = arith.constant dense<0.000000e+00> : vector<1xf32>
    %reduce_sum3A_355 = vector.multi_reduction <add>, %reduce_sum3A_353, %reduce_sum3A_354 [1, 2] : vector<1x1x80xf32> to vector<1xf32>
    %reduce_sum3A_356 = vector.shape_cast %reduce_sum3A_355 : vector<1xf32> to vector<1x1x1xf32>
    %reduce_sum3A_357 = vector.extract %reduce_sum3A_356[0, 0, 0] : f32 from vector<1x1x1xf32>
    %div3A_358 = arith.constant 8.000000e+01 : f32
    %div3A_359 = arith.divf %reduce_sum3A_357, %div3A_358 : f32
    %sub3A_360 = vector.broadcast %div3A_359 : f32 to vector<1x80xf32>
    %sub3A_361 = arith.subf %div3A_352, %sub3A_360 : vector<1x80xf32>
    %integer_pow3A = arith.mulf %sub3A_361, %sub3A_361 : vector<1x80xf32>
    %reduce_sum3A_362 = vector.shape_cast %integer_pow3A : vector<1x80xf32> to vector<1x1x80xf32>
    %reduce_sum3A_363 = arith.constant dense<0.000000e+00> : vector<1xf32>
    %reduce_sum3A_364 = vector.multi_reduction <add>, %reduce_sum3A_362, %reduce_sum3A_363 [1, 2] : vector<1x1x80xf32> to vector<1xf32>
    %reduce_sum3A_365 = vector.shape_cast %reduce_sum3A_364 : vector<1xf32> to vector<1x1x1xf32>
    %reduce_sum3A_366 = vector.extract %reduce_sum3A_365[0, 0, 0] : f32 from vector<1x1x1xf32>
    %div3A_367 = arith.constant 7.900000e+01 : f32
    %div3A_368 = arith.divf %reduce_sum3A_366, %div3A_367 : f32
    %mul3A_369 = arith.constant 3.000000e-01 : f32
    %mul3A_370 = arith.mulf %mul3A_369, %div3A_368 : f32
    %add3A_371 = arith.addf %mul3A_370, %mul3A_86 : f32
    %add3A_372 = arith.addf %add3A_371, %mul3A_107 : f32
    %reshape3A_373 = vector.broadcast %add3A_372 : f32 to vector<1x1xf32>
    %swap3A_374 = arith.constant 0 : index
    %swap3A_375 = arith.constant 0 : index
    %swap3A_376 = vector.load %arg12[%swap3A_374, %swap3A_375] : memref<1x1xf32, #tpu.memory_space<vmem>>, vector<1x1xf32>
    tpu.vector_store %arg12[%swap3A_374, %swap3A_375], %reshape3A_373 {strides = array<i32>} : memref<1x1xf32, #tpu.memory_space<vmem>>, vector<1x1xf32>,
    return
  }
}

</mosaic_0001>

<sc_bundles>
// kernel: kernel.5.cloned.1.call-start
scs
__scs_entry_jumppad:
0x0: {  	(pc) =	sbr.rel $0x88, $3  }
0x1: {  	(tag) =	ssettag $0x0;
	lr =	simm.s32 $0x1  }
0x2: {  	[smem:$0x3F99] =	sst lr;
	_ =	strace $0xD0000000  }
0x3: {  	_ = 	snop  }
0x4: {  	_ = 	snop  }
0x5: {  	_ = 	snop  }
0x6: {  	_ = 	snop  }
0x7: {  	_ = 	snop  }
__scs_overlays_trampoline_lowered:
0x8: {  	[smem:$0x3FA8] =	sst s0  }
0x9: {  	[smem:$0x3FA9] =	sst s1  }
0xa: {  	[smem:$0x3FAA] =	sst s2  }
0xb: {  	[smem:$0x3FAB] =	sst s3  }
0xc: {  	[smem:$0x3FAC] =	sst s4  }
0xd: {  	[smem:$0x3FAD] =	sst s5  }
0xe: {  	[smem:$0x3FAE] =	sst s6  }
0xf: {  	[smem:$0x3FAF] =	sst s7  }
0x10: {  	[smem:$0x3FB0] =	sst s8  }
0x11: {  	[smem:$0x3FB1] =	sst s9;
	s0 =	simm.s32 @!p0 $0x0  }
0x12: {  	s1 =	sld [smem:$0x3F97];
	s0 =	simm.s32 @p0 $0x1  }
0x13: {  	[smem:$0x3FB2] =	sst s0;
	s0 =	simm.s32 @!p1 $0x0  }
0x14: {  	s2 =	sld [smem:$0x3F96];
	s0 =	simm.s32 @p1 $0x1  }
0x15: {  	[smem:$0x3FB3] =	sst s0;
	s0 =	simm.s32 @!p2 $0x0  }
0x16: {  	s3 =	sld [smem:$0x3FDB];
	s0 =	simm.s32 @p2 $0x1  }
0x17: {  	s4 =	simm.s32 $0x1BF5;
	[smem:$0x3FB5] =	sst s0  }
0x18: {  	s0 =	sld [smem:$0x3F98];
	_ =	swait.ge [sflag:s4], $0x0  }
0x19: {  	s7 =	sld [smem:$0x3F99]  }
0x1a: {  	s8 =	sadd.s32 $0xFFFFE003, lr  }
0x1b: {  	s9 =	sadd.s32 $0xFFFFFEF7, lr;
	s5 =	simm.s32 $0xFFFFFFFF;
	p2 =	slt.u32 s8, $0xFFFFF086  }
0x1c: {  	p1 =	slt.u32 s9, $0xF7A;
	s5 =	simm.s32 @!p2 $0x0  }
0x1d: {  	s5 =	simm.s32 @p1 $0x1;
	p0 =	seq.s32 s7, s2  }
0x1e: {  	s7 =	smul.u32 @!p0 $0xF7A, s2;
	p2 =	seq.s32 @!p0 s5, $0x0  }
0x1f: {  	s9 =	smul.u32 $0xF7A, s1;
	s8 =	simm.s32 @!p0 $0x1BF5;
	p2 =	por !p2, p0  }
0x20: {  	[sflag:s8] =	ssyncset.s32 @!p0 $0xFFFFF086;
	s6 =	sadd.s32 @!p0 s3, s7;
	s7 =	simm.s32 @!p0 $0x108  }
0x21: {  	s3 =	sadd.s32 s3, s9;
	s6 =	sadd.s32 @!p0 $0x88, s6;
	s7 =	simm.s32 @p2 $0x1082  }
0x22: {  	[simem:s7], [sflag:s8] =	dma.local @!p0 [hbm:s6], $0xF7A  }
0x23: {  	s9 =	sor.u32 $0xD0000000, s2;
	s6 =	simm.s32 $0x108;
	_ =	swait.ge @!p0 [sflag:s8], $0x0  }
0x24: {  	s3 =	sadd.s32 $0x88, s3;
	s6 =	simm.s32 @!p1 $0x1082;
	[sflag:s4] =	ssyncset.s32 $0xFFFFF086  }
0x25: {  	[simem:s6], [sflag:s4] =	dma.local [hbm:s3], $0xF7A  }
0x26: {  	[smem:$0x3F99] =	sst s1;
	(tag) =	ssettag s2;
	_ =	strace s9  }
0x27: {  	s1 =	sld [smem:$0x3FA9]  }
0x28: {  	s2 =	sld [smem:$0x3FAA]  }
0x29: {  	s4 =	sld [smem:$0x3FAC]  }
0x2a: {  	p0 =	seq.s32 s5, $0x0;
	s5 =	sld [smem:$0x3FAD]  }
0x2b: {  	s6 =	sld [smem:$0x3FAE]  }
0x2c: {  	s7 =	sld [smem:$0x3FAF]  }
0x2d: {  	s3 =	simm.s32 $0x108;
	s8 =	sld [smem:$0x3FB0]  }
0x2e: {  	s3 =	simm.s32 @!p0 $0x1082;
	s9 =	sld [smem:$0x3FB1]  }
0x2f: {  	lr =	sadd.s32 s0, s3;
	s0 =	sld [smem:$0x3FA8]  }
0x30: {  	s3 =	sld [smem:$0x3FAB]  }
0x31: {  	[smem:$0x3FB4] =	sst s10  }
0x32: {  	s10 =	sld [smem:$0x3FB2];
	_ =	sdelay $0x3  }
0x33: {  	p0 =	seq.s32 s10, $0x1;
	s10 =	sld [smem:$0x3FB4];
	_ =	sdelay $0x3  }
0x34: {  	[smem:$0x3FB4] =	sst s10  }
0x35: {  	s10 =	sld [smem:$0x3FB3];
	_ =	sdelay $0x3  }
0x36: {  	p1 =	seq.s32 s10, $0x1;
	s10 =	sld [smem:$0x3FB4];
	_ =	sdelay $0x3  }
0x37: {  	[smem:$0x3FB4] =	sst s10  }
0x38: {  	s10 =	sld [smem:$0x3FB5]  }
0x39: {  	_ = 	snop;
	(pc) =	sbr.ind lr, $3  }
0x3a: {  	_ = 	snop  }
0x3b: {  	_ = 	snop  }
0x3c: {  	p2 =	seq.s32 s10, $0x1;
	s10 =	sld [smem:$0x3FB4]  }
0x3d: {  	_ =	shalt  }
0x3e: {  	_ =	shalt  }
0x3f: {  	_ =	shalt  }
0x40: {  	_ =	shalt  }
0x41: {  	_ =	shalt  }
0x42: {  	_ =	shalt  }
0x43: {  	_ =	shalt  }
0x44: {  	_ =	shalt  }
0x45: {  	_ =	shalt  }
0x46: {  	_ =	shalt  }
0x47: {  	_ =	shalt  }
0x48: {  	_ =	shalt  }
0x49: {  	_ =	shalt  }
0x4a: {  	_ =	shalt  }
0x4b: {  	_ =	shalt  }
0x4c: {  	_ =	shalt  }
0x4d: {  	_ =	shalt  }
0x4e: {  	_ =	shalt  }
0x4f: {  	_ =	shalt  }
0x50: {  	_ =	shalt  }
0x51: {  	_ =	shalt  }
0x52: {  	_ =	shalt  }
0x53: {  	_ =	shalt  }
0x54: {  	_ =	shalt  }
0x55: {  	_ =	shalt  }
0x56: {  	_ =	shalt  }
0x57: {  	_ =	shalt  }
0x58: {  	_ =	shalt  }
0x59: {  	_ =	shalt  }
0x5a: {  	_ =	shalt  }
0x5b: {  	_ =	shalt  }
0x5c: {  	_ =	shalt  }
0x5d: {  	_ =	shalt  }
0x5e: {  	_ =	shalt  }
0x5f: {  	_ =	shalt  }
0x60: {  	_ =	shalt  }
0x61: {  	_ =	shalt  }
0x62: {  	_ =	shalt  }
0x63: {  	_ =	shalt  }
0x64: {  	_ =	shalt  }
0x65: {  	_ =	shalt  }
0x66: {  	_ =	shalt  }
0x67: {  	_ =	shalt  }
0x68: {  	_ =	shalt  }
0x69: {  	_ =	shalt  }
0x6a: {  	_ =	shalt  }
0x6b: {  	_ =	shalt  }
0x6c: {  	_ =	shalt  }
0x6d: {  	_ =	shalt  }
0x6e: {  	_ =	shalt  }
0x6f: {  	_ =	shalt  }
0x70: {  	_ =	shalt  }
0x71: {  	_ =	shalt  }
0x72: {  	_ =	shalt  }
0x73: {  	_ =	shalt  }
0x74: {  	_ =	shalt  }
0x75: {  	_ =	shalt  }
0x76: {  	_ =	shalt  }
0x77: {  	_ =	shalt  }
0x78: {  	_ =	shalt  }
0x79: {  	_ =	shalt  }
0x7a: {  	_ =	shalt  }
0x7b: {  	_ =	shalt  }
0x7c: {  	_ =	shalt  }
0x7d: {  	_ =	shalt  }
0x7e: {  	_ =	shalt  }
0x7f: {  	_ =	shalt  }
0x80: {  	_ =	shalt  }
0x81: {  	_ =	shalt  }
0x82: {  	_ =	shalt  }
0x83: {  	_ =	shalt  }
0x84: {  	_ =	shalt  }
0x85: {  	_ =	shalt  }
0x86: {  	_ =	shalt  }
0x87: {  	_ =	shalt  }
.Lfunc_end0:
.L_simem_size_0:
called_computation_lowered:
.L_overlay_start_0:
0x88: {  	s2 =	sld [smem:$0x3FD9]  }
0x89: {  	s3 =	sld [smem:$0x3FFE];
	_ =	sdelay $0x1  }
0x8a: {  	s1 =	srdreg.scid  }
0x8b: {  	s0 =	sand.u32 $0x1, s1  }
0x8c: {  	s17 =	sshll.u32 s0, $0xA;
	s2 =	sadd.s32 s3, s2  }
0x8d: {  	s2 =	sadd.s32 s2, s17  }
0x8e: {  	[smem:$0x3FC0] =	sst s2  }
0x8f: {  	_ = 	snop  }
0x90: {  	s2 =	sld [smem:$0x3FC9];
	(tm) =	ssettm $0x1  }
0x91: {  	s18 =	sld [smem:$0x3FFB];
	_ =	sdelay $0x3  }
0x92: {  	_ =	strace s18  }
0x93: {  	s3 =	sld [smem:$0x3FFC];
	_ =	sdelay $0x3  }
0x94: {  	_ =	strace s3  }
0x95: {  	s3 =	sld [smem:$0x3FFD];
	_ =	sdelay $0x3  }
0x96: {  	_ =	strace s3  }
0x97: {  	_ =	strace $0x8FFFFFFF  }
0x98: {  	s19 =	sld [smem:$0x3FDB];
	_ =	sdelay $0x1  }
0x99: {  	s4 =	simm.s32 $_scs_section_size  }
0x9a: {  	s5 =	simm.s32 $_size__tile_overlayer_lowered;
	s6 =	simm.s32 $_tile_overlayer_lowered  }
0x9b: {  	s22 =	simm.s32 $0x1BFF;
	s21 =	sshll.u32 s6, $0x1;
	s3 =	sadd.s32 s4, s19  }
0x9c: {  	s7 =	simm.s32 $0x0;
	s20 =	sshll.u32 s5, $0x1;
	s5 =	sadd.s32 s21, s3  }
0x9d: {  	[timem:s7], [sflag:s22] =	dma.local [hbm:s5], s20  }
0x9e: {  	_ =	swait.ge [sflag:s22], s20  }
0x9f: {  	s4 =	ssub.s32 $0x0, s20;
	[sflag:s22] =	ssyncset.done $0x0  }
0xa0: {  	[sflag:s22] =	ssyncadd.s32 s4;
	_ =	sdelay $0x1  }
0xa1: {  	s23 =	simm.s32 $0x1B8B  }
0xa2: {  	_ =	swait.ge [sflag:s23], $0x1  }
0xa3: {  	[sflag:s23] =	ssyncset.done $0x0  }
0xa4: {  	s25 =	simm.s32 $0x1B8E;
	s24 =	sld [smem:$0x3FFE];
	[sflag:s23] =	ssyncadd.s32 $0xFFFFFFFF  }
0xa5: {  	s26 =	simm.s32 $execute0_lowered;
	[smem:$0x3FD2] =	sst s25  }
0xa6: {  	s5 =	sshll.u32 s26, $0x1;
	_ =	strace $0x80000046;
	[dreg:$0x1] =	wrdreg $0xFFFFFFFF  }
0xa7: {  	s28 =	simm.s32 $_size_execute0_lowered;
	s3 =	sadd.s32 s3, s5;
	[dreg:$0x0] =	wrdreg $0x0  }
0xa8: {  	s5 =	sshll.u32 s28, $0x1;
	[dreg:$0x2] =	wrdreg s3  }
0xa9: {  	[dreg:$0x3] =	wrdreg s5  }
0xaa: {  	[dreg:$0x4] =	wrdreg $0xC0  }
0xab: {  	_ =	task [dreg:s7], $0x5FFFF  }
0xac: {  	[dreg:$0x1] =	wrdreg $0xFFFFFFFF  }
0xad: {  	[dreg:$0x0] =	wrdreg $0x60  }
0xae: {  	[dreg:$0x2] =	wrdreg s2  }
0xaf: {  	[dreg:$0x3] =	wrdreg s24  }
0xb0: {  	[dreg:$0x4] =	wrdreg $0x9  }
0xb1: {  	_ =	task.clear_ibuf [dreg:s7], $0x5FFFF;
	_ =	strace $0x90000046  }
0xb2: {  	s29 =	simm.s32 $0x9;
	_ =	strace $0x80000048  }
0xb3: {  	_ =	swait.ge [sflag:s29], $0x1  }
0xb4: {  	[sflag:s29] =	ssyncadd.s32 $0xFFFFFFFF  }
0xb5: {  	_ =	strace $0x90000048  }
0xb6: {  	_ =	sfence  }
0xb7: {  	s30 =	sld [smem:$0x0];
	_ =	sdelay $0x2  }
0xb8: {  	s31 =	sshll.u32 s1, $0xD;
	s1 =	sshrl.u32 s1, $0x2  }
0xb9: {  	s3 =	sand.u32 $0x4000, s31;
	s1 =	sadd.s32 s1, s30  }
0xba: {  	s0 =	sor.u32 s3, s0;
	s1 =	sshll.u32 s1, $0x11  }
0xbb: {  	s0 =	sor.u32 s1, s0  }
0xbc: {  	s0 =	sadd.s32 $0x8F2B, s0  }
0xbd: {  	[sflag:s0] =	ssyncadd.remote.s32 $0x1  }
0xbe: {  	_ =	sfence.sel $0xFFFF  }
0xbf: {  	[dreg:$0x0] =	wrdreg $0xFFFFFFFF;
	(pc) =	sbr.abs _section_cstart, $3  }
0xc0: {  	[dreg:$0x1] =	wrdreg $0xFFFFFFFF  }
0xc1: {  	_ =	task.clear_ibuf [dreg:s7], $0x2FFFF;
	_ =	strace $0x9FFFFFFF  }
0xc2: {  	(tm) =	ssettm $0x7FFFFFFF  }
0xc3: {  	_ =	shalt  }
tec
execute0_lowered:
.L_overlay_start_1:
0x0: {  	(tag) =	ssettag $0x1  }
0x1: {  	s1 =	srdreg.scid;
	s2 =	rddreg [dreg:$0x0]  }
0x2: {  	s0 =	stileid.u32;
	s6 =	rddreg [dreg:$0x1];
	s3 =	simm.s32 $0x0  }
0x3: {  	s13 =	simm.s32 $0x2;
	s14 =	simm.s32 $0x80;
	s15 =	simm.s32 $0x400  }
0x4: {  	s16 =	simm.s32 $0x18000;
	s17 =	simm.s32 $0x3;
	s18 =	simm.s32 $0x0  }
0x5: {  	s5 =	sand.u32 $0x1, s1;
	s1 =	rddreg [dreg:$0x2];
	s4 =	sshrl.u32 s0, $0x2  }
0x6: {  	s23 =	sshll.u32 s0, $0x1;
	[smem:$0x7FF] =	sst s3;
	s9 =	smul.u32 $0xC000, s4  }
0x7: {  	s7 =	sor.u32 s5, s23;
	s4 =	smul.u32 $0x1800000, s4;
	_ =	strace $0x80000047  }
0x8: {  	s5 =	ssub.s32 $0x2, s5;
	s8 =	sshll.u32 s7, $0x7;
	s10 =	sand.u32 $0x7, s7  }
0x9: {  	s11 =	sshll.u32 s7, $0x4;
	s31 =	sshrl.u32 s5, $0x1;
	s8 =	sand.u32 $0x380, s8  }
0xa: {  	s25 =	sor.u32 $0x180, s11;
	s26 =	smul.u32 $0xC0000, s10;
	s12 =	ssub.s32 s5, s31  }
0xb: {  	s24 =	sor.u32 s9, s8;
	s8 =	smul.u32 $0xC000, s25;
	s10 =	smax.u32 s12, $0x1  }
.Ltmp0:
0xc: {  	s12 =	simm.s32 $0x1;
	s7 =	sshrl.u32 s24, $0x3;
	(pc) =	sbr.rel .LBB2_1-.Ltmp0, $4  }
0xd: {  	s29 =	sor.u32 s26, s4;
	s28 =	sadd.s32 s7, s6;
	s30 =	sadd.s32 s4, s8  }
0xe: {  	s6 =	sshrl.u32 s29, $0x3;
	s8 =	sor.u32 $0x183, s11;
	s7 =	sshrl.u32 s30, $0x3  }
0xf: {  	s6 =	sadd.s32 s2, s6;
	s9 =	sadd.s32 $0x1400, s28;
	s5 =	sadd.s32 s2, s7  }
0x10: {  	v0 =	vimm.f32 $0.0e+00;
	s6 =	sadd.s32 $0x241800, s6;
	s7 =	sor.u32 $0x182, s11;
	s11 =	simm.s32 $0xC000  }
.LBB2_10:
0x11: {  	s18 =	sadd.s32 $0x1, s18  }
0x12: {  	p0 =	sne.s32 s18, s10  }
.Ltmp1:
0x13: {  	_ = 	snop;
	(pc) =	sbr.rel @!p0 .LBB2_11-.Ltmp1, $4  }
0x14: {  	[hbm4b:s9+s14] =	stream.strided.scatter [tilespmem:s16], [sflag:$0x3], $0x1800, s15, s14, $0x38;
	[tilespmem:$0x19800] =	vst v63  }
0x15: {  	_ =	swait.ge [sflag:s17], $0x1800  }
0x16: {  	[sflag:s17] =	ssyncset.done $0x0  }
0x17: {  	[sflag:s17] =	ssyncadd.s32 $0xFFFFE800  }
.LBB2_1:
0x18: {  	s19 =	simm.s32 $0x40;
	s20 =	simm.s32 $0x0  }
.LBB2_2:
0x19: {  	p0 =	sne.s32 s19, $0x5FC0;
	[tilespmem:s20+$0x18000] =	vst v0;
	s20 =	smov.u32 s19;
	s19 =	sadd.s32 $0x40, s19  }
.Ltmp2:
0x1a: {  	(pc) =	sbr.rel @p0 .LBB2_2-.Ltmp2, $2  }
0x1b: {  	_ =	sdelay $0x2  }
0x1c: {  	s20 =	sshra.s32 s20, $0x2  }
0x1d: {  	[tilespmem:s20+$0x18000] =	vst v0;
	s19 =	simm.s32 $0x0  }
0x1e: {  	[tilespmem:s19], [sflag:$0x1] =	stream.linear.gather [hbm4b:s5+s19], $0xC000, $0x38;
	[tilespmem:$0x19800] =	vst v63  }
0x1f: {  	_ = 	snop  }
0x20: {  	[tilespmem:s11], [sflag:$0x2] =	stream.linear.gather [hbm4b:s6+s19], $0xC000, $0x38;
	[tilespmem:$0x19800] =	vst v63  }
.LBB2_4:
0x21: {  	_ =	swait.ge [sflag:s12], $0xC000  }
0x22: {  	[sflag:s12] =	ssyncset.done $0x0  }
0x23: {  	s20 =	simm.s32 $0x200;
	[sflag:s12] =	ssyncadd.s32 $0xFFFF4000  }
0x24: {  	v1 =	vld [tilespmem:s20+$0xFFFFFE00]  }
0x25: {  	v2 =	vld [tilespmem:s20+$0x180]  }
0x26: {  	v3 =	vld [tilespmem:s20+$0x100]  }
0x27: {  	v4 =	vld [tilespmem:s20+$0x80]  }
0x28: {  	v5 =	vld [tilespmem:s20+$0x0]  }
0x29: {  	v6 =	vld [tilespmem:s20+$0xFFFFFF80]  }
0x2a: {  	v7 =	vld [tilespmem:s20+$0xFFFFFF00]  }
0x2b: {  	v8 =	vld [tilespmem:s20+$0xFFFFFE80];
	_ =	sdelay $0x3  }
0x2c: {  	v2 =	vadd.f32 v2, v3;
	v3 =	vadd.f32 v4, v5  }
0x2d: {  	v4 =	vadd.f32 v6, v7;
	v1 =	vadd.f32 v8, v1;
	_ =	sdelay $0x1  }
0x2e: {  	v2 =	vadd.f32 v2, v3;
	v1 =	vadd.f32 v4, v1;
	_ =	sdelay $0x1  }
0x2f: {  	v1 =	vadd.f32 v2, v1  }
0x30: {  	s21 =	simm.s32 $0x0  }
0x31: {  	[tilespmem:s21+$0x18000] =	vst.add.f32.msk $0xffff, v1  }
0x32: {  	v1 =	vld [tilespmem:s20+$0xFFFFFF10]  }
0x33: {  	v2 =	vld [tilespmem:s20+$0xFFFFFE90]  }
0x34: {  	v3 =	vld [tilespmem:s20+$0x190]  }
0x35: {  	v4 =	vld [tilespmem:s20+$0x10]  }
0x36: {  	v5 =	vld [tilespmem:s20+$0x110]  }
0x37: {  	v6 =	vld [tilespmem:s20+$0xFFFFFF90]  }
0x38: {  	v7 =	vld [tilespmem:s20+$0x90]  }
0x39: {  	v8 =	vld [tilespmem:s20+$0xFFFFFE10];
	_ =	sdelay $0x3  }
0x3a: {  	v3 =	vadd.f32 v3, v5;
	v1 =	vadd.f32 v6, v1  }
0x3b: {  	v4 =	vadd.f32 v7, v4;
	v2 =	vadd.f32 v2, v8;
	_ =	sdelay $0x1  }
0x3c: {  	v3 =	vadd.f32 v3, v4;
	v1 =	vadd.f32 v1, v2;
	_ =	sdelay $0x1  }
0x3d: {  	v1 =	vadd.f32 v3, v1;
	_ =	sdelay $0x1  }
0x3e: {  	[tilespmem:s21+$0x18010] =	vst.add.f32.msk $0xffff, v1  }
0x3f: {  	v1 =	vld [tilespmem:s20+$0x1A0]  }
0x40: {  	v2 =	vld [tilespmem:s20+$0xFFFFFEA0]  }
0x41: {  	v3 =	vld [tilespmem:s20+$0xA0]  }
0x42: {  	v4 =	vld [tilespmem:s20+$0x120]  }
0x43: {  	v5 =	vld [tilespmem:s20+$0xFFFFFFA0]  }
0x44: {  	v6 =	vld [tilespmem:s20+$0x20]  }
0x45: {  	v7 =	vld [tilespmem:s20+$0xFFFFFF20]  }
0x46: {  	v8 =	vld [tilespmem:s20+$0xFFFFFE20];
	_ =	sdelay $0x3  }
0x47: {  	v3 =	vadd.f32 v3, v6;
	v1 =	vadd.f32 v1, v4  }
0x48: {  	v4 =	vadd.f32 v5, v7;
	v2 =	vadd.f32 v2, v8;
	_ =	sdelay $0x1  }
0x49: {  	v1 =	vadd.f32 v1, v3;
	v2 =	vadd.f32 v4, v2;
	_ =	sdelay $0x1  }
0x4a: {  	v1 =	vadd.f32 v1, v2;
	_ =	sdelay $0x1  }
0x4b: {  	[tilespmem:s21+$0x18020] =	vst.add.f32.msk $0xffff, v1  }
0x4c: {  	v1 =	vld [tilespmem:s20+$0x1B0]  }
0x4d: {  	v2 =	vld [tilespmem:s20+$0x130]  }
0x4e: {  	v3 =	vld [tilespmem:s20+$0xFFFFFF30]  }
0x4f: {  	v4 =	vld [tilespmem:s20+$0xFFFFFEB0]  }
0x50: {  	v5 =	vld [tilespmem:s20+$0xB0]  }
0x51: {  	v6 =	vld [tilespmem:s20+$0xFFFFFE30]  }
0x52: {  	v7 =	vld [tilespmem:s20+$0xFFFFFFB0]  }
0x53: {  	v8 =	vld [tilespmem:s20+$0x30];
	_ =	sdelay $0x3  }
0x54: {  	v1 =	vadd.f32 v1, v2;
	v2 =	vadd.f32 v4, v6  }
0x55: {  	v3 =	vadd.f32 v7, v3;
	v4 =	vadd.f32 v5, v8;
	_ =	sdelay $0x1  }
0x56: {  	v2 =	vadd.f32 v3, v2;
	v1 =	vadd.f32 v1, v4;
	_ =	sdelay $0x1  }
0x57: {  	v1 =	vadd.f32 v1, v2;
	_ =	sdelay $0x1  }
0x58: {  	[tilespmem:s21+$0x18030] =	vst.add.f32.msk $0xffff, v1  }
0x59: {  	v1 =	vld [tilespmem:s20+$0x1C0]  }
0x5a: {  	v2 =	vld [tilespmem:s20+$0xFFFFFE40]  }
0x5b: {  	v3 =	vld [tilespmem:s20+$0xFFFFFF40]  }
0x5c: {  	v4 =	vld [tilespmem:s20+$0xFFFFFEC0]  }
0x5d: {  	v5 =	vld [tilespmem:s20+$0x140]  }
0x5e: {  	v6 =	vld [tilespmem:s20+$0xC0]  }
0x5f: {  	v7 =	vld [tilespmem:s20+$0xFFFFFFC0]  }
0x60: {  	v8 =	vld [tilespmem:s20+$0x40];
	_ =	sdelay $0x3  }
0x61: {  	v2 =	vadd.f32 v4, v2;
	v1 =	vadd.f32 v1, v5  }
0x62: {  	v3 =	vadd.f32 v7, v3;
	v4 =	vadd.f32 v6, v8;
	_ =	sdelay $0x1  }
0x63: {  	v2 =	vadd.f32 v3, v2;
	v1 =	vadd.f32 v1, v4;
	_ =	sdelay $0x1  }
0x64: {  	v1 =	vadd.f32 v1, v2;
	_ =	sdelay $0x1  }
0x65: {  	[tilespmem:s21+$0x18040] =	vst.add.f32.msk $0xffff, v1  }
0x66: {  	v1 =	vld [tilespmem:s20+$0xD0]  }
0x67: {  	v3 =	vld [tilespmem:s20+$0x1D0]  }
0x68: {  	v2 =	vld [tilespmem:s20+$0xFFFFFED0]  }
0x69: {  	v4 =	vld [tilespmem:s20+$0xFFFFFF50]  }
0x6a: {  	v5 =	vld [tilespmem:s20+$0x150]  }
0x6b: {  	v6 =	vld [tilespmem:s20+$0x50]  }
0x6c: {  	s22 =	simm.s32 $0x200;
	s23 =	simm.s32 $0x200;
	v7 =	vld [tilespmem:s20+$0xFFFFFFD0]  }
.LBB2_5:
0x6d: {  	p0 =	sne.s32 s22, $0x5E00  }
0x6e: {  	v8 =	vld [tilespmem:s20+$0xFFFFFE50];
	s23 =	sadd.s32 $0x400, s23;
	s24 =	smov.u32 s22;
	s22 =	sadd.s32 $0x200, s22  }
0x6f: {  	_ = 	snop  }
0x70: {  	v3 =	vadd.f32 v3, v5  }
0x71: {  	v1 =	vadd.f32 v1, v6  }
0x72: {  	v4 =	vadd.f32 v7, v4  }
0x73: {  	v2 =	vadd.f32 v2, v8;
	v1 =	vadd.f32 v3, v1;
	_ =	sdelay $0x1  }
0x74: {  	v2 =	vadd.f32 v4, v2;
	_ =	sdelay $0x1  }
0x75: {  	v1 =	vadd.f32 v1, v2;
	_ =	sdelay $0x1  }
0x76: {  	[tilespmem:s21+$0x18050] =	vst.add.f32.msk $0xffff, v1  }
0x77: {  	v1 =	vld [tilespmem:s20+$0xFFFFFE60]  }
0x78: {  	v2 =	vld [tilespmem:s20+$0x1E0]  }
0x79: {  	v3 =	vld [tilespmem:s20+$0xFFFFFFE0]  }
0x7a: {  	v4 =	vld [tilespmem:s20+$0xFFFFFF60]  }
0x7b: {  	v5 =	vld [tilespmem:s20+$0xE0]  }
0x7c: {  	v6 =	vld [tilespmem:s20+$0x60]  }
0x7d: {  	v7 =	vld [tilespmem:s20+$0xFFFFFEE0]  }
0x7e: {  	v8 =	vld [tilespmem:s20+$0x160]  }
0x7f: {  	v3 =	vadd.f32 v3, v4;
	_ =	sdelay $0x1  }
0x80: {  	v4 =	vadd.f32 v5, v6  }
0x81: {  	v1 =	vadd.f32 v7, v1  }
0x82: {  	v2 =	vadd.f32 v2, v8;
	_ =	sdelay $0x1  }
0x83: {  	v1 =	vadd.f32 v3, v1;
	v2 =	vadd.f32 v2, v4;
	_ =	sdelay $0x1  }
0x84: {  	v1 =	vadd.f32 v2, v1;
	_ =	sdelay $0x1  }
0x85: {  	[tilespmem:s21+$0x18060] =	vst.add.f32.msk $0xffff, v1  }
0x86: {  	v1 =	vld [tilespmem:s20+$0xFFFFFE70]  }
0x87: {  	v2 =	vld [tilespmem:s20+$0xF0]  }
0x88: {  	v3 =	vld [tilespmem:s20+$0x170]  }
0x89: {  	v4 =	vld [tilespmem:s20+$0x1F0]  }
0x8a: {  	v5 =	vld [tilespmem:s20+$0xFFFFFFF0]  }
0x8b: {  	v6 =	vld [tilespmem:s20+$0xFFFFFF70]  }
0x8c: {  	v7 =	vld [tilespmem:s20+$0xFFFFFEF0]  }
0x8d: {  	v8 =	vld [tilespmem:s20+$0x70];
	s20 =	smov.u32 s23;
	_ =	sdelay $0x2  }
0x8e: {  	v3 =	vadd.f32 v4, v3;
	v5 =	vadd.f32 v5, v6  }
0x8f: {  	v1 =	vadd.f32 v7, v1  }
0x90: {  	v2 =	vadd.f32 v2, v8  }
0x91: {  	v1 =	vadd.f32 v5, v1  }
0x92: {  	v2 =	vadd.f32 v3, v2;
	_ =	sdelay $0x1  }
0x93: {  	v1 =	vadd.f32 v2, v1;
	_ =	sdelay $0x1  }
0x94: {  	[tilespmem:s21+$0x18070] =	vst.add.f32.msk $0xffff, v1  }
0x95: {  	v1 =	vld [tilespmem:s23+$0xFFFFFE00]  }
0x96: {  	v2 =	vld [tilespmem:s23+$0x180]  }
0x97: {  	v3 =	vld [tilespmem:s23+$0x100]  }
0x98: {  	v4 =	vld [tilespmem:s23+$0x80]  }
0x99: {  	v5 =	vld [tilespmem:s23+$0x0]  }
0x9a: {  	v6 =	vld [tilespmem:s23+$0xFFFFFF80]  }
0x9b: {  	v7 =	vld [tilespmem:s23+$0xFFFFFF00]  }
0x9c: {  	v8 =	vld [tilespmem:s23+$0xFFFFFE80];
	v2 =	vadd.f32 v2, v3;
	_ =	sdelay $0x1  }
0x9d: {  	v3 =	vadd.f32 v4, v5;
	_ =	sdelay $0x1  }
0x9e: {  	v4 =	vadd.f32 v6, v7;
	v2 =	vadd.f32 v2, v3  }
0x9f: {  	v1 =	vadd.f32 v8, v1;
	_ =	sdelay $0x1  }
0xa0: {  	v1 =	vadd.f32 v4, v1;
	_ =	sdelay $0x1  }
0xa1: {  	v1 =	vadd.f32 v2, v1  }
0xa2: {  	s21 =	sshra.s32 s24, $0x2  }
0xa3: {  	[tilespmem:s21+$0x18000] =	vst.add.f32.msk $0xffff, v1  }
0xa4: {  	v1 =	vld [tilespmem:s23+$0xFFFFFF10]  }
0xa5: {  	v2 =	vld [tilespmem:s23+$0xFFFFFE90]  }
0xa6: {  	v3 =	vld [tilespmem:s23+$0x190]  }
0xa7: {  	v4 =	vld [tilespmem:s23+$0x10]  }
0xa8: {  	v5 =	vld [tilespmem:s23+$0x110]  }
0xa9: {  	v6 =	vld [tilespmem:s23+$0xFFFFFF90]  }
0xaa: {  	v7 =	vld [tilespmem:s23+$0x90]  }
0xab: {  	v8 =	vld [tilespmem:s23+$0xFFFFFE10];
	_ =	sdelay $0x1  }
0xac: {  	v3 =	vadd.f32 v3, v5;
	_ =	sdelay $0x1  }
0xad: {  	v1 =	vadd.f32 v6, v1;
	v4 =	vadd.f32 v7, v4  }
0xae: {  	v2 =	vadd.f32 v2, v8  }
0xaf: {  	v3 =	vadd.f32 v3, v4  }
0xb0: {  	v1 =	vadd.f32 v1, v2;
	_ =	sdelay $0x1  }
0xb1: {  	v1 =	vadd.f32 v3, v1;
	_ =	sdelay $0x1  }
0xb2: {  	[tilespmem:s21+$0x18010] =	vst.add.f32.msk $0xffff, v1  }
0xb3: {  	v1 =	vld [tilespmem:s23+$0x1A0]  }
0xb4: {  	v2 =	vld [tilespmem:s23+$0xFFFFFEA0]  }
0xb5: {  	v3 =	vld [tilespmem:s23+$0xA0]  }
0xb6: {  	v4 =	vld [tilespmem:s23+$0x120]  }
0xb7: {  	v5 =	vld [tilespmem:s23+$0xFFFFFFA0]  }
0xb8: {  	v6 =	vld [tilespmem:s23+$0x20]  }
0xb9: {  	v7 =	vld [tilespmem:s23+$0xFFFFFF20]  }
0xba: {  	v8 =	vld [tilespmem:s23+$0xFFFFFE20];
	_ =	sdelay $0x2  }
0xbb: {  	v1 =	vadd.f32 v1, v4;
	v3 =	vadd.f32 v3, v6  }
0xbc: {  	v4 =	vadd.f32 v5, v7  }
0xbd: {  	v2 =	vadd.f32 v2, v8;
	v1 =	vadd.f32 v1, v3;
	_ =	sdelay $0x1  }
0xbe: {  	v2 =	vadd.f32 v4, v2;
	_ =	sdelay $0x1  }
0xbf: {  	v1 =	vadd.f32 v1, v2;
	_ =	sdelay $0x1  }
0xc0: {  	[tilespmem:s21+$0x18020] =	vst.add.f32.msk $0xffff, v1  }
0xc1: {  	v1 =	vld [tilespmem:s23+$0x1B0]  }
0xc2: {  	v2 =	vld [tilespmem:s23+$0x130]  }
0xc3: {  	v3 =	vld [tilespmem:s23+$0xFFFFFF30]  }
0xc4: {  	v4 =	vld [tilespmem:s23+$0xFFFFFEB0]  }
0xc5: {  	v5 =	vld [tilespmem:s23+$0xB0]  }
0xc6: {  	v6 =	vld [tilespmem:s23+$0xFFFFFE30]  }
0xc7: {  	v7 =	vld [tilespmem:s23+$0xFFFFFFB0];
	v1 =	vadd.f32 v1, v2  }
0xc8: {  	v2 =	vld [tilespmem:s23+$0x30];
	_ =	sdelay $0x2  }
0xc9: {  	v4 =	vadd.f32 v4, v6  }
0xca: {  	v3 =	vadd.f32 v7, v3  }
0xcb: {  	v2 =	vadd.f32 v5, v2;
	_ =	sdelay $0x1  }
0xcc: {  	v3 =	vadd.f32 v3, v4;
	v1 =	vadd.f32 v1, v2;
	_ =	sdelay $0x1  }
0xcd: {  	v1 =	vadd.f32 v1, v3;
	_ =	sdelay $0x1  }
0xce: {  	[tilespmem:s21+$0x18030] =	vst.add.f32.msk $0xffff, v1  }
0xcf: {  	v1 =	vld [tilespmem:s23+$0x1C0]  }
0xd0: {  	v2 =	vld [tilespmem:s23+$0xFFFFFE40]  }
0xd1: {  	v3 =	vld [tilespmem:s23+$0xFFFFFF40]  }
0xd2: {  	v4 =	vld [tilespmem:s23+$0xFFFFFEC0]  }
0xd3: {  	v5 =	vld [tilespmem:s23+$0x140]  }
0xd4: {  	v6 =	vld [tilespmem:s23+$0xC0]  }
0xd5: {  	v7 =	vld [tilespmem:s23+$0xFFFFFFC0]  }
0xd6: {  	v8 =	vld [tilespmem:s23+$0x40]  }
0xd7: {  	v2 =	vadd.f32 v4, v2;
	_ =	sdelay $0x1  }
0xd8: {  	v1 =	vadd.f32 v1, v5  }
0xd9: {  	v3 =	vadd.f32 v7, v3  }
0xda: {  	v4 =	vadd.f32 v6, v8  }
0xdb: {  	v2 =	vadd.f32 v3, v2  }
0xdc: {  	v1 =	vadd.f32 v1, v4;
	_ =	sdelay $0x1  }
0xdd: {  	v1 =	vadd.f32 v1, v2;
	_ =	sdelay $0x1  }
0xde: {  	[tilespmem:s21+$0x18040] =	vst.add.f32.msk $0xffff, v1  }
0xdf: {  	v1 =	vld [tilespmem:s23+$0xD0]  }
0xe0: {  	v3 =	vld [tilespmem:s23+$0x1D0]  }
.Ltmp3:
0xe1: {  	v2 =	vld [tilespmem:s23+$0xFFFFFED0];
	(pc) =	sbr.rel @p0 .LBB2_5-.Ltmp3, $4  }
0xe2: {  	v4 =	vld [tilespmem:s23+$0xFFFFFF50]  }
0xe3: {  	v5 =	vld [tilespmem:s23+$0x150]  }
0xe4: {  	v6 =	vld [tilespmem:s23+$0x50]  }
0xe5: {  	v7 =	vld [tilespmem:s23+$0xFFFFFFD0]  }
0xe6: {  	v8 =	vld [tilespmem:s20+$0xFFFFFE50];
	_ =	sdelay $0x3  }
0xe7: {  	v3 =	vadd.f32 v3, v5;
	v1 =	vadd.f32 v1, v6  }
0xe8: {  	v4 =	vadd.f32 v7, v4;
	v2 =	vadd.f32 v2, v8;
	_ =	sdelay $0x1  }
0xe9: {  	v1 =	vadd.f32 v3, v1;
	v2 =	vadd.f32 v4, v2;
	_ =	sdelay $0x1  }
0xea: {  	v1 =	vadd.f32 v1, v2;
	_ =	sdelay $0x1  }
0xeb: {  	[tilespmem:s21+$0x18050] =	vst.add.f32.msk $0xffff, v1  }
0xec: {  	v1 =	vld [tilespmem:s20+$0xFFFFFE60]  }
0xed: {  	v2 =	vld [tilespmem:s20+$0x1E0]  }
0xee: {  	v3 =	vld [tilespmem:s20+$0xFFFFFFE0]  }
0xef: {  	v4 =	vld [tilespmem:s20+$0xFFFFFF60]  }
0xf0: {  	v5 =	vld [tilespmem:s20+$0xE0]  }
0xf1: {  	v6 =	vld [tilespmem:s20+$0x60]  }
0xf2: {  	v7 =	vld [tilespmem:s20+$0xFFFFFEE0]  }
0xf3: {  	v8 =	vld [tilespmem:s20+$0x160];
	_ =	sdelay $0x3  }
0xf4: {  	v3 =	vadd.f32 v3, v4;
	v4 =	vadd.f32 v5, v6  }
0xf5: {  	v1 =	vadd.f32 v7, v1;
	v2 =	vadd.f32 v2, v8;
	_ =	sdelay $0x1  }
0xf6: {  	v1 =	vadd.f32 v3, v1;
	v2 =	vadd.f32 v2, v4;
	_ =	sdelay $0x1  }
0xf7: {  	v1 =	vadd.f32 v2, v1;
	_ =	sdelay $0x1  }
0xf8: {  	[tilespmem:s21+$0x18060] =	vst.add.f32.msk $0xffff, v1  }
0xf9: {  	v1 =	vld [tilespmem:s20+$0xFFFFFE70]  }
0xfa: {  	v2 =	vld [tilespmem:s20+$0xF0]  }
0xfb: {  	v3 =	vld [tilespmem:s20+$0x170]  }
0xfc: {  	v4 =	vld [tilespmem:s20+$0x1F0]  }
0xfd: {  	v5 =	vld [tilespmem:s20+$0xFFFFFFF0]  }
0xfe: {  	v6 =	vld [tilespmem:s20+$0xFFFFFF70]  }
0xff: {  	v7 =	vld [tilespmem:s20+$0xFFFFFEF0]  }
0x100: {  	v8 =	vld [tilespmem:s20+$0x70];
	_ =	sdelay $0x3  }
0x101: {  	v5 =	vadd.f32 v5, v6;
	v3 =	vadd.f32 v4, v3  }
0x102: {  	p0 =	seq.s32 s19, $0x7;
	s20 =	sshll.u32 s19, $0x1;
	v1 =	vadd.f32 v7, v1;
	v2 =	vadd.f32 v2, v8  }
0x103: {  	s22 =	sadd.s32 @!p0 s20, s7  }
0x104: {  	s22 =	smul.u32 @!p0 $0xC000, s22;
	v1 =	vadd.f32 v5, v1;
	v2 =	vadd.f32 v3, v2;
	_ =	sdelay $0x1  }
0x105: {  	s22 =	sadd.s32 @!p0 s4, s22;
	v1 =	vadd.f32 v2, v1  }
0x106: {  	s22 =	sshrl.u32 @!p0 s22, $0x3  }
0x107: {  	[tilespmem:s21+$0x18070] =	vst.add.f32.msk $0xffff, v1;
	s21 =	sadd.s32 @!p0 s2, s22;
	s22 =	simm.s32 @!p0 $0x0  }
0x108: {  	[tilespmem:s22], [sflag:$0x1] =	stream.linear.gather @!p0 [hbm4b:s21+s22], $0xC000, $0x38;
	[tilespmem:$0x19800] =	vst v63  }
0x109: {  	_ =	swait.ge [sflag:s13], $0xC000  }
0x10a: {  	[sflag:s13] =	ssyncset.done $0x0  }
0x10b: {  	s21 =	simm.s32 $0xC200;
	[sflag:s13] =	ssyncadd.s32 $0xFFFF4000  }
0x10c: {  	v1 =	vld [tilespmem:s21+$0xFFFFFE00]  }
0x10d: {  	v2 =	vld [tilespmem:s21+$0x180]  }
0x10e: {  	v3 =	vld [tilespmem:s21+$0x100]  }
0x10f: {  	v4 =	vld [tilespmem:s21+$0x80]  }
0x110: {  	v5 =	vld [tilespmem:s21+$0x0]  }
0x111: {  	v6 =	vld [tilespmem:s21+$0xFFFFFF80]  }
0x112: {  	v7 =	vld [tilespmem:s21+$0xFFFFFF00]  }
0x113: {  	v8 =	vld [tilespmem:s21+$0xFFFFFE80];
	_ =	sdelay $0x3  }
0x114: {  	v2 =	vadd.f32 v2, v3;
	v3 =	vadd.f32 v4, v5  }
0x115: {  	v4 =	vadd.f32 v6, v7;
	v1 =	vadd.f32 v8, v1;
	_ =	sdelay $0x1  }
0x116: {  	v2 =	vadd.f32 v2, v3;
	v1 =	vadd.f32 v4, v1;
	_ =	sdelay $0x1  }
0x117: {  	v1 =	vadd.f32 v2, v1  }
0x118: {  	s22 =	simm.s32 $0x0  }
0x119: {  	[tilespmem:s22+$0x18000] =	vst.add.f32.msk $0xffff, v1  }
0x11a: {  	v1 =	vld [tilespmem:s21+$0xFFFFFF10]  }
0x11b: {  	v2 =	vld [tilespmem:s21+$0xFFFFFE90]  }
0x11c: {  	v3 =	vld [tilespmem:s21+$0x190]  }
0x11d: {  	v4 =	vld [tilespmem:s21+$0x10]  }
0x11e: {  	v5 =	vld [tilespmem:s21+$0x110]  }
0x11f: {  	v6 =	vld [tilespmem:s21+$0xFFFFFF90]  }
0x120: {  	v7 =	vld [tilespmem:s21+$0x90]  }
0x121: {  	v8 =	vld [tilespmem:s21+$0xFFFFFE10];
	_ =	sdelay $0x3  }
0x122: {  	v3 =	vadd.f32 v3, v5;
	v1 =	vadd.f32 v6, v1  }
0x123: {  	v4 =	vadd.f32 v7, v4;
	v2 =	vadd.f32 v2, v8;
	_ =	sdelay $0x1  }
0x124: {  	v3 =	vadd.f32 v3, v4;
	v1 =	vadd.f32 v1, v2;
	_ =	sdelay $0x1  }
0x125: {  	v1 =	vadd.f32 v3, v1;
	_ =	sdelay $0x1  }
0x126: {  	[tilespmem:s22+$0x18010] =	vst.add.f32.msk $0xffff, v1  }
0x127: {  	v1 =	vld [tilespmem:s21+$0x1A0]  }
0x128: {  	v2 =	vld [tilespmem:s21+$0xFFFFFEA0]  }
0x129: {  	v3 =	vld [tilespmem:s21+$0xA0]  }
0x12a: {  	v4 =	vld [tilespmem:s21+$0x120]  }
0x12b: {  	v5 =	vld [tilespmem:s21+$0xFFFFFFA0]  }
0x12c: {  	v6 =	vld [tilespmem:s21+$0x20]  }
0x12d: {  	v7 =	vld [tilespmem:s21+$0xFFFFFF20]  }
0x12e: {  	v8 =	vld [tilespmem:s21+$0xFFFFFE20];
	_ =	sdelay $0x3  }
0x12f: {  	v3 =	vadd.f32 v3, v6;
	v1 =	vadd.f32 v1, v4  }
0x130: {  	v4 =	vadd.f32 v5, v7;
	v2 =	vadd.f32 v2, v8;
	_ =	sdelay $0x1  }
0x131: {  	v1 =	vadd.f32 v1, v3;
	v2 =	vadd.f32 v4, v2;
	_ =	sdelay $0x1  }
0x132: {  	v1 =	vadd.f32 v1, v2;
	_ =	sdelay $0x1  }
0x133: {  	[tilespmem:s22+$0x18020] =	vst.add.f32.msk $0xffff, v1  }
0x134: {  	v1 =	vld [tilespmem:s21+$0x1B0]  }
0x135: {  	v2 =	vld [tilespmem:s21+$0x130]  }
0x136: {  	v3 =	vld [tilespmem:s21+$0xFFFFFF30]  }
0x137: {  	v4 =	vld [tilespmem:s21+$0xFFFFFEB0]  }
0x138: {  	v5 =	vld [tilespmem:s21+$0xB0]  }
0x139: {  	v6 =	vld [tilespmem:s21+$0xFFFFFE30]  }
0x13a: {  	v7 =	vld [tilespmem:s21+$0xFFFFFFB0]  }
0x13b: {  	v8 =	vld [tilespmem:s21+$0x30];
	_ =	sdelay $0x3  }
0x13c: {  	v1 =	vadd.f32 v1, v2;
	v2 =	vadd.f32 v4, v6  }
0x13d: {  	v3 =	vadd.f32 v7, v3;
	v4 =	vadd.f32 v5, v8;
	_ =	sdelay $0x1  }
0x13e: {  	v2 =	vadd.f32 v3, v2;
	v1 =	vadd.f32 v1, v4;
	_ =	sdelay $0x1  }
0x13f: {  	v1 =	vadd.f32 v1, v2;
	_ =	sdelay $0x1  }
0x140: {  	[tilespmem:s22+$0x18030] =	vst.add.f32.msk $0xffff, v1  }
0x141: {  	v1 =	vld [tilespmem:s21+$0x1C0]  }
0x142: {  	v2 =	vld [tilespmem:s21+$0xFFFFFE40]  }
0x143: {  	v3 =	vld [tilespmem:s21+$0xFFFFFF40]  }
0x144: {  	v4 =	vld [tilespmem:s21+$0xFFFFFEC0]  }
0x145: {  	v5 =	vld [tilespmem:s21+$0x140]  }
0x146: {  	v6 =	vld [tilespmem:s21+$0xC0]  }
0x147: {  	v7 =	vld [tilespmem:s21+$0xFFFFFFC0]  }
0x148: {  	v8 =	vld [tilespmem:s21+$0x40];
	_ =	sdelay $0x3  }
0x149: {  	v2 =	vadd.f32 v4, v2;
	v1 =	vadd.f32 v1, v5  }
0x14a: {  	v3 =	vadd.f32 v7, v3;
	v4 =	vadd.f32 v6, v8;
	_ =	sdelay $0x1  }
0x14b: {  	v2 =	vadd.f32 v3, v2;
	v1 =	vadd.f32 v1, v4;
	_ =	sdelay $0x1  }
0x14c: {  	v1 =	vadd.f32 v1, v2;
	_ =	sdelay $0x1  }
0x14d: {  	[tilespmem:s22+$0x18040] =	vst.add.f32.msk $0xffff, v1  }
0x14e: {  	v1 =	vld [tilespmem:s21+$0xD0]  }
0x14f: {  	v3 =	vld [tilespmem:s21+$0x1D0]  }
0x150: {  	v2 =	vld [tilespmem:s21+$0xFFFFFED0]  }
0x151: {  	v4 =	vld [tilespmem:s21+$0xFFFFFF50]  }
0x152: {  	v5 =	vld [tilespmem:s21+$0x150]  }
0x153: {  	v6 =	vld [tilespmem:s21+$0x50]  }
0x154: {  	s23 =	simm.s32 $0x200;
	s24 =	simm.s32 $0xC200;
	v7 =	vld [tilespmem:s21+$0xFFFFFFD0]  }
.LBB2_7:
0x155: {  	p1 =	sne.s32 s23, $0x5E00  }
0x156: {  	v8 =	vld [tilespmem:s21+$0xFFFFFE50];
	s24 =	sadd.s32 $0x400, s24;
	s25 =	smov.u32 s23;
	s23 =	sadd.s32 $0x200, s23  }
0x157: {  	_ = 	snop  }
0x158: {  	v3 =	vadd.f32 v3, v5  }
0x159: {  	v1 =	vadd.f32 v1, v6  }
0x15a: {  	v4 =	vadd.f32 v7, v4  }
0x15b: {  	v2 =	vadd.f32 v2, v8;
	v1 =	vadd.f32 v3, v1;
	_ =	sdelay $0x1  }
0x15c: {  	v2 =	vadd.f32 v4, v2;
	_ =	sdelay $0x1  }
0x15d: {  	v1 =	vadd.f32 v1, v2;
	_ =	sdelay $0x1  }
0x15e: {  	[tilespmem:s22+$0x18050] =	vst.add.f32.msk $0xffff, v1  }
0x15f: {  	v1 =	vld [tilespmem:s21+$0xFFFFFE60]  }
0x160: {  	v2 =	vld [tilespmem:s21+$0x1E0]  }
0x161: {  	v3 =	vld [tilespmem:s21+$0xFFFFFFE0]  }
0x162: {  	v4 =	vld [tilespmem:s21+$0xFFFFFF60]  }
0x163: {  	v5 =	vld [tilespmem:s21+$0xE0]  }
0x164: {  	v6 =	vld [tilespmem:s21+$0x60]  }
0x165: {  	v7 =	vld [tilespmem:s21+$0xFFFFFEE0]  }
0x166: {  	v8 =	vld [tilespmem:s21+$0x160]  }
0x167: {  	v3 =	vadd.f32 v3, v4;
	_ =	sdelay $0x1  }
0x168: {  	v4 =	vadd.f32 v5, v6  }
0x169: {  	v1 =	vadd.f32 v7, v1  }
0x16a: {  	v2 =	vadd.f32 v2, v8;
	_ =	sdelay $0x1  }
0x16b: {  	v1 =	vadd.f32 v3, v1;
	v2 =	vadd.f32 v2, v4;
	_ =	sdelay $0x1  }
0x16c: {  	v1 =	vadd.f32 v2, v1;
	_ =	sdelay $0x1  }
0x16d: {  	[tilespmem:s22+$0x18060] =	vst.add.f32.msk $0xffff, v1  }
0x16e: {  	v1 =	vld [tilespmem:s21+$0xFFFFFE70]  }
0x16f: {  	v2 =	vld [tilespmem:s21+$0xF0]  }
0x170: {  	v3 =	vld [tilespmem:s21+$0x170]  }
0x171: {  	v4 =	vld [tilespmem:s21+$0x1F0]  }
0x172: {  	v5 =	vld [tilespmem:s21+$0xFFFFFFF0]  }
0x173: {  	v6 =	vld [tilespmem:s21+$0xFFFFFF70]  }
0x174: {  	v7 =	vld [tilespmem:s21+$0xFFFFFEF0]  }
0x175: {  	v8 =	vld [tilespmem:s21+$0x70];
	s21 =	smov.u32 s24;
	_ =	sdelay $0x2  }
0x176: {  	v3 =	vadd.f32 v4, v3;
	v5 =	vadd.f32 v5, v6  }
0x177: {  	v1 =	vadd.f32 v7, v1  }
0x178: {  	v2 =	vadd.f32 v2, v8  }
0x179: {  	v1 =	vadd.f32 v5, v1  }
0x17a: {  	v2 =	vadd.f32 v3, v2;
	_ =	sdelay $0x1  }
0x17b: {  	v1 =	vadd.f32 v2, v1;
	_ =	sdelay $0x1  }
0x17c: {  	[tilespmem:s22+$0x18070] =	vst.add.f32.msk $0xffff, v1  }
0x17d: {  	v1 =	vld [tilespmem:s24+$0xFFFFFE00]  }
0x17e: {  	v2 =	vld [tilespmem:s24+$0x180]  }
0x17f: {  	v3 =	vld [tilespmem:s24+$0x100]  }
0x180: {  	v4 =	vld [tilespmem:s24+$0x80]  }
0x181: {  	v5 =	vld [tilespmem:s24+$0x0]  }
0x182: {  	v6 =	vld [tilespmem:s24+$0xFFFFFF80]  }
0x183: {  	v7 =	vld [tilespmem:s24+$0xFFFFFF00]  }
0x184: {  	v8 =	vld [tilespmem:s24+$0xFFFFFE80];
	v2 =	vadd.f32 v2, v3;
	_ =	sdelay $0x1  }
0x185: {  	v3 =	vadd.f32 v4, v5;
	_ =	sdelay $0x1  }
0x186: {  	v4 =	vadd.f32 v6, v7;
	v2 =	vadd.f32 v2, v3  }
0x187: {  	v1 =	vadd.f32 v8, v1;
	_ =	sdelay $0x1  }
0x188: {  	v1 =	vadd.f32 v4, v1;
	_ =	sdelay $0x1  }
0x189: {  	v1 =	vadd.f32 v2, v1  }
0x18a: {  	s22 =	sshra.s32 s25, $0x2  }
0x18b: {  	[tilespmem:s22+$0x18000] =	vst.add.f32.msk $0xffff, v1  }
0x18c: {  	v1 =	vld [tilespmem:s24+$0xFFFFFF10]  }
0x18d: {  	v2 =	vld [tilespmem:s24+$0xFFFFFE90]  }
0x18e: {  	v3 =	vld [tilespmem:s24+$0x190]  }
0x18f: {  	v4 =	vld [tilespmem:s24+$0x10]  }
0x190: {  	v5 =	vld [tilespmem:s24+$0x110]  }
0x191: {  	v6 =	vld [tilespmem:s24+$0xFFFFFF90]  }
0x192: {  	v7 =	vld [tilespmem:s24+$0x90]  }
0x193: {  	v8 =	vld [tilespmem:s24+$0xFFFFFE10];
	_ =	sdelay $0x1  }
0x194: {  	v3 =	vadd.f32 v3, v5;
	_ =	sdelay $0x1  }
0x195: {  	v1 =	vadd.f32 v6, v1;
	v4 =	vadd.f32 v7, v4  }
0x196: {  	v2 =	vadd.f32 v2, v8  }
0x197: {  	v3 =	vadd.f32 v3, v4  }
0x198: {  	v1 =	vadd.f32 v1, v2;
	_ =	sdelay $0x1  }
0x199: {  	v1 =	vadd.f32 v3, v1;
	_ =	sdelay $0x1  }
0x19a: {  	[tilespmem:s22+$0x18010] =	vst.add.f32.msk $0xffff, v1  }
0x19b: {  	v1 =	vld [tilespmem:s24+$0x1A0]  }
0x19c: {  	v2 =	vld [tilespmem:s24+$0xFFFFFEA0]  }
0x19d: {  	v3 =	vld [tilespmem:s24+$0xA0]  }
0x19e: {  	v4 =	vld [tilespmem:s24+$0x120]  }
0x19f: {  	v5 =	vld [tilespmem:s24+$0xFFFFFFA0]  }
0x1a0: {  	v6 =	vld [tilespmem:s24+$0x20]  }
0x1a1: {  	v7 =	vld [tilespmem:s24+$0xFFFFFF20]  }
0x1a2: {  	v8 =	vld [tilespmem:s24+$0xFFFFFE20];
	_ =	sdelay $0x2  }
0x1a3: {  	v1 =	vadd.f32 v1, v4;
	v3 =	vadd.f32 v3, v6  }
0x1a4: {  	v4 =	vadd.f32 v5, v7  }
0x1a5: {  	v2 =	vadd.f32 v2, v8;
	v1 =	vadd.f32 v1, v3;
	_ =	sdelay $0x1  }
0x1a6: {  	v2 =	vadd.f32 v4, v2;
	_ =	sdelay $0x1  }
0x1a7: {  	v1 =	vadd.f32 v1, v2;
	_ =	sdelay $0x1  }
0x1a8: {  	[tilespmem:s22+$0x18020] =	vst.add.f32.msk $0xffff, v1  }
0x1a9: {  	v1 =	vld [tilespmem:s24+$0x1B0]  }
0x1aa: {  	v2 =	vld [tilespmem:s24+$0x130]  }
0x1ab: {  	v3 =	vld [tilespmem:s24+$0xFFFFFF30]  }
0x1ac: {  	v4 =	vld [tilespmem:s24+$0xFFFFFEB0]  }
0x1ad: {  	v5 =	vld [tilespmem:s24+$0xB0]  }
0x1ae: {  	v6 =	vld [tilespmem:s24+$0xFFFFFE30]  }
0x1af: {  	v7 =	vld [tilespmem:s24+$0xFFFFFFB0];
	v1 =	vadd.f32 v1, v2  }
0x1b0: {  	v2 =	vld [tilespmem:s24+$0x30];
	_ =	sdelay $0x2  }
0x1b1: {  	v4 =	vadd.f32 v4, v6  }
0x1b2: {  	v3 =	vadd.f32 v7, v3  }
0x1b3: {  	v2 =	vadd.f32 v5, v2;
	_ =	sdelay $0x1  }
0x1b4: {  	v3 =	vadd.f32 v3, v4;
	v1 =	vadd.f32 v1, v2;
	_ =	sdelay $0x1  }
0x1b5: {  	v1 =	vadd.f32 v1, v3;
	_ =	sdelay $0x1  }
0x1b6: {  	[tilespmem:s22+$0x18030] =	vst.add.f32.msk $0xffff, v1  }
0x1b7: {  	v1 =	vld [tilespmem:s24+$0x1C0]  }
0x1b8: {  	v2 =	vld [tilespmem:s24+$0xFFFFFE40]  }
0x1b9: {  	v3 =	vld [tilespmem:s24+$0xFFFFFF40]  }
0x1ba: {  	v4 =	vld [tilespmem:s24+$0xFFFFFEC0]  }
0x1bb: {  	v5 =	vld [tilespmem:s24+$0x140]  }
0x1bc: {  	v6 =	vld [tilespmem:s24+$0xC0]  }
0x1bd: {  	v7 =	vld [tilespmem:s24+$0xFFFFFFC0]  }
0x1be: {  	v8 =	vld [tilespmem:s24+$0x40]  }
0x1bf: {  	v2 =	vadd.f32 v4, v2;
	_ =	sdelay $0x1  }
0x1c0: {  	v1 =	vadd.f32 v1, v5  }
0x1c1: {  	v3 =	vadd.f32 v7, v3  }
0x1c2: {  	v4 =	vadd.f32 v6, v8  }
0x1c3: {  	v2 =	vadd.f32 v3, v2  }
0x1c4: {  	v1 =	vadd.f32 v1, v4;
	_ =	sdelay $0x1  }
0x1c5: {  	v1 =	vadd.f32 v1, v2;
	_ =	sdelay $0x1  }
0x1c6: {  	[tilespmem:s22+$0x18040] =	vst.add.f32.msk $0xffff, v1  }
0x1c7: {  	v1 =	vld [tilespmem:s24+$0xD0]  }
0x1c8: {  	v3 =	vld [tilespmem:s24+$0x1D0]  }
.Ltmp4:
0x1c9: {  	v2 =	vld [tilespmem:s24+$0xFFFFFED0];
	(pc) =	sbr.rel @p1 .LBB2_7-.Ltmp4, $4  }
0x1ca: {  	v4 =	vld [tilespmem:s24+$0xFFFFFF50]  }
0x1cb: {  	v5 =	vld [tilespmem:s24+$0x150]  }
0x1cc: {  	v6 =	vld [tilespmem:s24+$0x50]  }
0x1cd: {  	v7 =	vld [tilespmem:s24+$0xFFFFFFD0]  }
0x1ce: {  	v8 =	vld [tilespmem:s21+$0xFFFFFE50];
	_ =	sdelay $0x3  }
0x1cf: {  	v3 =	vadd.f32 v3, v5;
	v1 =	vadd.f32 v1, v6  }
0x1d0: {  	v4 =	vadd.f32 v7, v4;
	v2 =	vadd.f32 v2, v8;
	_ =	sdelay $0x1  }
0x1d1: {  	v1 =	vadd.f32 v3, v1;
	v2 =	vadd.f32 v4, v2;
	_ =	sdelay $0x1  }
0x1d2: {  	v1 =	vadd.f32 v1, v2;
	_ =	sdelay $0x1  }
0x1d3: {  	[tilespmem:s22+$0x18050] =	vst.add.f32.msk $0xffff, v1  }
0x1d4: {  	v1 =	vld [tilespmem:s21+$0xFFFFFE60]  }
0x1d5: {  	v2 =	vld [tilespmem:s21+$0x1E0]  }
0x1d6: {  	v3 =	vld [tilespmem:s21+$0xFFFFFFE0]  }
0x1d7: {  	v53 =	vld [tilespmem:s21+$0xFFFFFF60]  }
0x1d8: {  	v54 =	vld [tilespmem:s21+$0xE0]  }
0x1d9: {  	v55 =	vld [tilespmem:s21+$0x60]  }
0x1da: {  	v56 =	vld [tilespmem:s21+$0xFFFFFEE0]  }
0x1db: {  	v57 =	vld [tilespmem:s21+$0x160];
	_ =	sdelay $0x3  }
0x1dc: {  	v3 =	vadd.f32 v3, v53;
	v58 =	vadd.f32 v54, v55  }
0x1dd: {  	v1 =	vadd.f32 v56, v1;
	v2 =	vadd.f32 v2, v57;
	_ =	sdelay $0x1  }
0x1de: {  	v1 =	vadd.f32 v3, v1;
	v2 =	vadd.f32 v2, v58;
	_ =	sdelay $0x1  }
0x1df: {  	v1 =	vadd.f32 v2, v1;
	_ =	sdelay $0x1  }
0x1e0: {  	[tilespmem:s22+$0x18060] =	vst.add.f32.msk $0xffff, v1  }
0x1e1: {  	v1 =	vld [tilespmem:s21+$0xFFFFFE70]  }
0x1e2: {  	v2 =	vld [tilespmem:s21+$0xF0]  }
0x1e3: {  	v3 =	vld [tilespmem:s21+$0x170]  }
0x1e4: {  	v59 =	vld [tilespmem:s21+$0x1F0]  }
0x1e5: {  	v60 =	vld [tilespmem:s21+$0xFFFFFFF0]  }
0x1e6: {  	v61 =	vld [tilespmem:s21+$0xFFFFFF70]  }
0x1e7: {  	v62 =	vld [tilespmem:s21+$0xFFFFFEF0]  }
0x1e8: {  	v63 =	vld [tilespmem:s21+$0x70];
	_ =	sdelay $0x3  }
0x1e9: {  	v5 =	vadd.f32 v60, v61;
	v3 =	vadd.f32 v59, v3  }
0x1ea: {  	v1 =	vadd.f32 v62, v1;
	v2 =	vadd.f32 v2, v63;
	_ =	sdelay $0x1  }
.Ltmp5:
0x1eb: {  	v1 =	vadd.f32 v5, v1;
	v2 =	vadd.f32 v3, v2;
	(pc) =	sbr.rel @p0 .LBB2_10-.Ltmp5, $3  }
0x1ec: {  	_ = 	snop  }
0x1ed: {  	v1 =	vadd.f32 v2, v1;
	_ =	sdelay $0x1  }
0x1ee: {  	[tilespmem:s22+$0x18070] =	vst.add.f32.msk $0xffff, v1  }
0x1ef: {  	s20 =	sadd.s32 s20, s8  }
0x1f0: {  	s20 =	smul.u32 $0xC000, s20  }
.Ltmp6:
0x1f1: {  	_ = 	snop;
	(pc) =	sbr.rel .LBB2_4-.Ltmp6, $4  }
0x1f2: {  	s20 =	sadd.s32 s4, s20  }
0x1f3: {  	s20 =	sshrl.u32 s20, $0x3  }
0x1f4: {  	s19 =	sadd.s32 $0x1, s19;
	s20 =	sadd.s32 s2, s20  }
0x1f5: {  	[tilespmem:s11], [sflag:$0x2] =	stream.linear.gather [hbm4b:s20+s3], $0xC000, $0x38;
	[tilespmem:$0x19800] =	vst v63  }
.LBB2_11:
0x1f6: {  	_ =	sfence.sel $0x180000  }
0x1f7: {  	[bflag:$0x0] =	sbarrier.arrive $0xFFFF  }
0x1f8: {  	p0 =	sne.s32 s0, $0x0;
	_ =	strace $0x90000047  }
0x1f9: {  	s0 =	sadd.s32 @!p0 $0x100000, s1;
	[bflag:$0x2] =	sbarrier.arrive $0xFFFF  }
0x1fa: {  	[sflag:s0] =	ssyncadd.tile.s32 @!p0 $0x1;
	_ =	shalt  }
.Lfunc_end2:
_tile_overlayer_lowered:
.L_overlay_start_2:
0x1fb: {  	(tag) =	ssettag $0x2  }
0x1fc: {  	s0 =	rddreg [dreg:$0x0];
	s2 =	stileid.u32  }
0x1fd: {  	s1 =	rddreg [dreg:$0x1];
	p0 =	sne.s32 s2, $0x0  }
0x1fe: {  	s3 =	rddreg [dreg:$0x2];
	[bflag:$0x3] =	sbarrier.arrive $0xFFFF;
	s2 =	simm.s32 @!p0 $0x1C03  }
0x1ff: {  	[timem:s3], [sflag:s2] =	dma.local @!p0 [hbm:s0], s1  }
0x200: {  	s0 =	simm.s32 @!p0 $0x3  }
0x201: {  	_ =	swait.ge @!p0 [sflag:s0], s1  }
0x202: {  	s1 =	ssub.s32 @!p0 $0x0, s1;
	[sflag:s0] =	ssyncset.done @!p0 $0x0  }
0x203: {  	[sflag:s0] =	ssyncadd.s32 @!p0 s1  }
0x204: {  	[bflag:$0x3] =	sbarrier.arrive $0xFFFF  }
0x205: {  	_ =	shalt  }

</sc_bundles>
